<compile_context>
chip_gen: v7x
topology: tpu7x:2x2x1
jax: 0.10.2.dev20260603
libtpu: 0.0.44.dev20260713+nightly
codegen_flags: <defaults>
</compile_context>

<pallas_src>
import jax
import jax.numpy as jnp
import numpy as np
from jax.experimental import pallas as pl

N = 1048576
LANES = 128
ROWS = N // LANES
R = 256

_A = np.arange(3 * LANES)
_DMAT = np.zeros((3 * LANES, 3 * LANES), np.float32)
_DMAT[_A, LANES * (_A % 3) + _A // 3] = 1.0
_P = np.arange(LANES)
_E0 = np.zeros((LANES, 3 * LANES), np.float32)
_E0[_P, 3 * _P] = 1.0
_E1 = np.zeros((LANES, 3 * LANES), np.float32)
_E1[_P, 3 * _P + 1] = 1.0
_E2 = np.zeros((LANES, 3 * LANES), np.float32)
_E2[_P, 3 * _P + 2] = 1.0
_ES = _E0 + _E1 + _E2
_KMASK = np.kron(np.eye(LANES, dtype=np.float32),
                 np.ones((16, 3), np.float32))


def _volume_kernel(xi_ref, yp_ref, st_ref, dmat_ref, ew_ref, eb_ref,
                   dw_ref, db_ref, cw_ref, wbc_ref, e0_ref, e1_ref,
                   e2_ref, es_ref, bc_ref, od_ref, oc_ref):
    f32 = jnp.float32
    xi = xi_ref[...]
    ndc_i = xi * st_ref[0:1, :] + st_ref[1:2, :]
    pln = jnp.dot(ndc_i, dmat_ref[...], preferred_element_type=f32,
                  precision=jax.lax.Precision.HIGHEST)
    x = pln[:, 0:128]
    y = pln[:, 128:256]
    z = pln[:, 256:384]
    mask = ((x >= -1.0) & (x <= 1.0) & (y >= -1.0) & (y <= 1.0)
            & (z >= -1.0) & (z <= 1.0))
    maskf = mask.astype(f32)

    ew = ew_ref[...]
    eb = eb_ref[...]
    dw = dw_ref[...]
    cw = cw_ref[...]
    f = []
    for k in range(16):
        acc = (x * ew[3 * k:3 * k + 1, :] + y * ew[3 * k + 1:3 * k + 2, :]
               + z * ew[3 * k + 2:3 * k + 3, :] + eb[k:k + 1, :])
        f.append(jnp.maximum(acc, 0.0))

    dl = db_ref[...] + f[0] * dw[0:1, :]
    for k in range(1, 16):
        dl = dl + f[k] * dw[k:k + 1, :]
    dens = jnp.maximum(dl, 0.0) + jnp.log1p(jnp.exp(-jnp.abs(dl)))
    od_ref[...] = dens * maskf

    l0 = f[0] * cw[0:1, :]
    l1 = f[0] * cw[1:2, :]
    l2 = f[0] * cw[2:3, :]
    for k in range(1, 16):
        l0 = l0 + f[k] * cw[3 * k:3 * k + 1, :]
        l1 = l1 + f[k] * cw[3 * k + 1:3 * k + 2, :]
        l2 = l2 + f[k] * cw[3 * k + 2:3 * k + 3, :]
    g = jnp.dot(yp_ref[...], wbc_ref[...], preferred_element_type=f32)
    li = (jnp.dot(l0, e0_ref[...], preferred_element_type=f32)
          + jnp.dot(l1, e1_ref[...], preferred_element_type=f32)
          + jnp.dot(l2, e2_ref[...], preferred_element_type=f32)
          + g + bc_ref[...])
    mi = jnp.dot(maskf, es_ref[...], preferred_element_type=f32)
    oc_ref[...] = mi / (1.0 + jnp.exp(-li))


def kernel(xyz, ynm, W_enc, b_enc, W_d, b_d, W_c, b_c, aabb):
    f32 = jnp.float32
    one = W_enc[0, 0] * 0.0 + 1.0
    xi = (xyz * one).reshape(ROWS, 3 * LANES)
    yp = (ynm * one).astype(jnp.bfloat16).reshape(ROWS, 16 * LANES)

    span = aabb[1] - aabb[0]
    s = 2.0 / span
    t = -2.0 * aabb[0] / span - 1.0
    st = jnp.stack([jnp.tile(s, LANES), jnp.tile(t, LANES)])

    dmat, e0, e1, e2, es = _DMAT, _E0, _E1, _E2, _ES

    ew = jnp.broadcast_to(W_enc.T.reshape(48, 1), (48, LANES))
    eb = jnp.broadcast_to(b_enc.reshape(16, 1), (16, LANES))
    dw = jnp.broadcast_to(W_d.reshape(16, 1), (16, LANES))
    db = jnp.broadcast_to(b_d.reshape(1, 1), (1, LANES))
    cw = jnp.broadcast_to(W_c[:16].reshape(48, 1), (48, LANES))
    wtile = jnp.broadcast_to(W_c[16:][None, :, None, :],
                             (LANES, 16, LANES, 3)).reshape(16 * LANES,
                                                            3 * LANES)
    wbc = (_KMASK * wtile).astype(jnp.bfloat16)
    bc = jnp.tile(b_c, LANES).reshape(1, 3 * LANES)

    grid = (ROWS // R,)

    def _blk(shape):
        return pl.BlockSpec(shape, lambda i: (i, 0))

    def _cst(shape):
        return pl.BlockSpec(shape, lambda i: (0, 0))

    out = pl.pallas_call(
        _volume_kernel,
        grid=grid,
        in_specs=[
            _blk((R, 3 * LANES)),
            _blk((R, 16 * LANES)),
            _cst((2, 3 * LANES)),
            _cst((3 * LANES, 3 * LANES)),
            _cst((48, LANES)),
            _cst((16, LANES)),
            _cst((16, LANES)),
            _cst((1, LANES)),
            _cst((48, LANES)),
            _cst((16 * LANES, 3 * LANES)),
            _cst((LANES, 3 * LANES)),
            _cst((LANES, 3 * LANES)),
            _cst((LANES, 3 * LANES)),
            _cst((LANES, 3 * LANES)),
            _cst((1, 3 * LANES)),
        ],
        out_specs=[
            _blk((R, LANES)),
            _blk((R, 3 * LANES)),
        ],
        out_shape=[
            jax.ShapeDtypeStruct((ROWS, LANES), f32),
            jax.ShapeDtypeStruct((ROWS, 3 * LANES), f32),
        ],
    )(xi, yp, st, dmat, ew, eb, dw, db, cw, wbc, e0, e1, e2, es, bc)
    out_d = jnp.maximum(out[0], 0.0).reshape(N, 1)
    out_c = jnp.maximum(out[1], 0.0).reshape(N, 3)
    return (out_d, out_c)

# --- scband reference (transcript-rebuilt; emitter-appended) ---
"""Pipeline reference for scband-volume-35734127902876 (READ-ONLY COPY).

The authoritative reference and input builder live on the scoring server;
editing this copy changes nothing except your own understanding.
"""

import jax, jax.numpy as jnp
import numpy as np

N = 1048576

def setup_inputs(seed: int = 0) -> dict:
    key = jax.random.key(seed)
    ks = jax.random.split(key, 6)
    xyz = jax.random.normal(ks[0], (N, 3), dtype=jnp.float32)
    ynm = jax.random.normal(ks[1], (N, 16), dtype=jnp.float32)
    W_enc = jax.random.normal(ks[2], (3, 16), dtype=jnp.float32) * 0.5
    b_enc = jnp.zeros((16,), dtype=jnp.float32)
    W_d = jax.random.normal(ks[3], (16, 1), dtype=jnp.float32) * 0.25
    b_d = jnp.zeros((1,), dtype=jnp.float32)
    W_c = jax.random.normal(ks[4], (32, 3), dtype=jnp.float32) * 0.25
    b_c = jnp.zeros((3,), dtype=jnp.float32)
    aabb = jnp.array([[-1.0, -1.0, -1.0], [1.0, 1.0, 1.0]], dtype=jnp.float32)
    return {"xyz": xyz, "ynm": ynm, "W_enc": W_enc, "b_enc": b_enc, "W_d": W_d, "b_d": b_d, "W_c": W_c, "b_c": b_c, "aabb": aabb}


def reference(xyz, ynm, W_enc, b_enc, W_d, b_d, W_c, b_c, aabb):
    # convert_world_to_box_normalized: map world coords inside aabb to [-1, 1]
    span = aabb[1] - aabb[0]
    xyz_ndc = (xyz - aabb[0]) / span * 2.0 - 1.0
    # BoundsFilter.test
    mask = jnp.all((xyz_ndc >= -1.0) & (xyz_ndc <= 1.0), axis=-1)
    # radiance_field.encode (row-wise; computed on all rows, masked at the end)
    f = jnp.maximum(xyz_ndc @ W_enc + b_enc, 0.0)
    # radiance_field.decode_density
    density = jax.nn.softplus(f @ W_d + b_d)
    # radiance_field.decode_color with view-direction conditioning
    color = jax.nn.sigmoid(jnp.concatenate([f, ynm], axis=-1) @ W_c + b_c)
    # scatter-overwrite into zero-initialized output buffers (out_density[mask] = density)
    zero = jnp.zeros((), dtype=xyz.dtype)
    out_density = jnp.where(mask[:, None], density.astype(xyz.dtype), zero)
    out_color = jnp.where(mask[:, None], color.astype(xyz.dtype), zero)
    return (out_density, out_color)

if __name__ == "__main__":
    import jax
    _d = setup_inputs()
    print(jax.jit(kernel)(*tuple(_d.values())))

</pallas_src>

<mosaic_0001>
module attributes {stable_mosaic.version = 14 : i64} {
  func.func @_volume_kernel(%arg0: i32, %arg1: memref<256x384xf32, #tpu.memory_space<vmem>>, %arg2: memref<256x2048xbf16, #tpu.memory_space<vmem>>, %arg3: memref<2x384xf32, #tpu.memory_space<vmem>>, %arg4: memref<384x384xf32, #tpu.memory_space<vmem>>, %arg5: memref<48x128xf32, #tpu.memory_space<vmem>>, %arg6: memref<16x128xf32, #tpu.memory_space<vmem>>, %arg7: memref<16x128xf32, #tpu.memory_space<vmem>>, %arg8: memref<1x128xf32, #tpu.memory_space<vmem>>, %arg9: memref<48x128xf32, #tpu.memory_space<vmem>>, %arg10: memref<2048x384xbf16, #tpu.memory_space<vmem>>, %arg11: memref<128x384xf32, #tpu.memory_space<vmem>>, %arg12: memref<128x384xf32, #tpu.memory_space<vmem>>, %arg13: memref<128x384xf32, #tpu.memory_space<vmem>>, %arg14: memref<128x384xf32, #tpu.memory_space<vmem>>, %arg15: memref<1x384xf32, #tpu.memory_space<vmem>>, %arg16: memref<256x128xf32, #tpu.memory_space<vmem>>, %arg17: memref<256x384xf32, #tpu.memory_space<vmem>>) attributes {dimension_semantics = [#tpu.dimension_semantics<arbitrary>], iteration_bounds = array<i64: 32>, scalar_prefetch = 0 : i64, scratch_operands = 0 : i64, tpu.core_type = #tpu.core_type<tc>, window_params = [{transform_indices = @transform_0, window_bounds = array<i64: 256, 384>}, {transform_indices = @transform_1, window_bounds = array<i64: 256, 2048>}, {pipeline_mode = #tpu.pipeline_mode<synchronous>, transform_indices = @transform_2, window_bounds = array<i64: 2, 384>}, {pipeline_mode = #tpu.pipeline_mode<synchronous>, transform_indices = @transform_3, window_bounds = array<i64: 384, 384>}, {pipeline_mode = #tpu.pipeline_mode<synchronous>, transform_indices = @transform_4, window_bounds = array<i64: 48, 128>}, {pipeline_mode = #tpu.pipeline_mode<synchronous>, transform_indices = @transform_5, window_bounds = array<i64: 16, 128>}, {pipeline_mode = #tpu.pipeline_mode<synchronous>, transform_indices = @transform_6, window_bounds = array<i64: 16, 128>}, {pipeline_mode = #tpu.pipeline_mode<synchronous>, transform_indices = @transform_7, window_bounds = array<i64: 1, 128>}, {pipeline_mode = #tpu.pipeline_mode<synchronous>, transform_indices = @transform_8, window_bounds = array<i64: 48, 128>}, {pipeline_mode = #tpu.pipeline_mode<synchronous>, transform_indices = @transform_9, window_bounds = array<i64: 2048, 384>}, {pipeline_mode = #tpu.pipeline_mode<synchronous>, transform_indices = @transform_10, window_bounds = array<i64: 128, 384>}, {pipeline_mode = #tpu.pipeline_mode<synchronous>, transform_indices = @transform_11, window_bounds = array<i64: 128, 384>}, {pipeline_mode = #tpu.pipeline_mode<synchronous>, transform_indices = @transform_12, window_bounds = array<i64: 128, 384>}, {pipeline_mode = #tpu.pipeline_mode<synchronous>, transform_indices = @transform_13, window_bounds = array<i64: 128, 384>}, {pipeline_mode = #tpu.pipeline_mode<synchronous>, transform_indices = @transform_14, window_bounds = array<i64: 1, 384>}, {transform_indices = @transform_15, window_bounds = array<i64: 256, 128>}, {transform_indices = @transform_16, window_bounds = array<i64: 256, 384>}]} {
    %get3A = arith.constant 0 : index
    %get3A_0 = arith.constant 0 : index
    %get3A_1 = vector.load %arg1[%get3A, %get3A_0] : memref<256x384xf32, #tpu.memory_space<vmem>>, vector<256x384xf32>
    %get3A_2 = arith.constant 0 : index
    %get3A_3 = arith.constant 0 : index
    %get3A_4 = vector.load %arg3[%get3A_2, %get3A_3] : memref<2x384xf32, #tpu.memory_space<vmem>>, vector<1x384xf32>
    %mul3A = vector.broadcast %get3A_4 : vector<1x384xf32> to vector<256x384xf32>
    %mul3A_5 = arith.mulf %get3A_1, %mul3A : vector<256x384xf32>
    %get3A_6 = arith.constant 1 : index
    %get3A_7 = arith.constant 0 : index
    %get3A_8 = vector.load %arg3[%get3A_6, %get3A_7] : memref<2x384xf32, #tpu.memory_space<vmem>>, vector<1x384xf32>
    %add3A = vector.broadcast %get3A_8 : vector<1x384xf32> to vector<256x384xf32>
    %add3A_9 = arith.addf %mul3A_5, %add3A : vector<256x384xf32>
    %get3A_10 = arith.constant 0 : index
    %get3A_11 = arith.constant 0 : index
    %get3A_12 = vector.load %arg4[%get3A_10, %get3A_11] : memref<384x384xf32, #tpu.memory_space<vmem>>, vector<384x384xf32>
    %dot_general3A = arith.constant dense<0.000000e+00> : vector<256x384xf32>
    %dot_general3A_13 = tpu.matmul %add3A_9, %get3A_12, %dot_general3A {dimension_numbers = #tpu.dot_dimension_numbers<[1], [0], [0], [1], [0, 0, 1, 1], [], []>, precision = #tpu.contract_precision<fp32>, transpose_lhs_hint = false} : vector<256x384xf32>, vector<384x384xf32>, vector<256x384xf32> -> vector<256x384xf32>
    %slice3A = vector.extract_strided_slice %dot_general3A_13 {offsets = [0, 0], sizes = [256, 128], strides = [1, 1]} : vector<256x384xf32> to vector<256x128xf32>
    %slice3A_14 = vector.extract_strided_slice %dot_general3A_13 {offsets = [0, 128], sizes = [256, 128], strides = [1, 1]} : vector<256x384xf32> to vector<256x128xf32>
    %slice3A_15 = vector.extract_strided_slice %dot_general3A_13 {offsets = [0, 256], sizes = [256, 128], strides = [1, 1]} : vector<256x384xf32> to vector<256x128xf32>
    %ge3A = arith.constant -1.000000e+00 : f32
    %ge3A_16 = vector.broadcast %ge3A : f32 to vector<256x128xf32>
    %ge3A_17 = arith.cmpf oge, %slice3A, %ge3A_16 : vector<256x128xf32>
    %le3A = arith.constant 1.000000e+00 : f32
    %le3A_18 = vector.broadcast %le3A : f32 to vector<256x128xf32>
    %le3A_19 = arith.cmpf ole, %slice3A, %le3A_18 : vector<256x128xf32>
    %and3A = arith.andi %ge3A_17, %le3A_19 : vector<256x128xi1>
    %ge3A_20 = arith.constant -1.000000e+00 : f32
    %ge3A_21 = vector.broadcast %ge3A_20 : f32 to vector<256x128xf32>
    %ge3A_22 = arith.cmpf oge, %slice3A_14, %ge3A_21 : vector<256x128xf32>
    %and3A_23 = arith.andi %and3A, %ge3A_22 : vector<256x128xi1>
    %le3A_24 = arith.constant 1.000000e+00 : f32
    %le3A_25 = vector.broadcast %le3A_24 : f32 to vector<256x128xf32>
    %le3A_26 = arith.cmpf ole, %slice3A_14, %le3A_25 : vector<256x128xf32>
    %and3A_27 = arith.andi %and3A_23, %le3A_26 : vector<256x128xi1>
    %ge3A_28 = arith.constant -1.000000e+00 : f32
    %ge3A_29 = vector.broadcast %ge3A_28 : f32 to vector<256x128xf32>
    %ge3A_30 = arith.cmpf oge, %slice3A_15, %ge3A_29 : vector<256x128xf32>
    %and3A_31 = arith.andi %and3A_27, %ge3A_30 : vector<256x128xi1>
    %le3A_32 = arith.constant 1.000000e+00 : f32
    %le3A_33 = vector.broadcast %le3A_32 : f32 to vector<256x128xf32>
    %le3A_34 = arith.cmpf ole, %slice3A_15, %le3A_33 : vector<256x128xf32>
    %and3A_35 = arith.andi %and3A_31, %le3A_34 : vector<256x128xi1>
    %convert_element_type3A = arith.extui %and3A_35 : vector<256x128xi1> to vector<256x128xi32>
    %convert_element_type3A_36 = arith.sitofp %convert_element_type3A : vector<256x128xi32> to vector<256x128xf32>
    %get3A_37 = arith.constant 0 : index
    %get3A_38 = arith.constant 0 : index
    %get3A_39 = vector.load %arg5[%get3A_37, %get3A_38] : memref<48x128xf32, #tpu.memory_space<vmem>>, vector<48x128xf32>
    %get3A_40 = arith.constant 0 : index
    %get3A_41 = arith.constant 0 : index
    %get3A_42 = vector.load %arg6[%get3A_40, %get3A_41] : memref<16x128xf32, #tpu.memory_space<vmem>>, vector<16x128xf32>
    %get3A_43 = arith.constant 0 : index
    %get3A_44 = arith.constant 0 : index
    %get3A_45 = vector.load %arg7[%get3A_43, %get3A_44] : memref<16x128xf32, #tpu.memory_space<vmem>>, vector<16x128xf32>
    %get3A_46 = arith.constant 0 : index
    %get3A_47 = arith.constant 0 : index
    %get3A_48 = vector.load %arg9[%get3A_46, %get3A_47] : memref<48x128xf32, #tpu.memory_space<vmem>>, vector<48x128xf32>
    %slice3A_49 = vector.extract_strided_slice %get3A_39 {offsets = [0, 0], sizes = [1, 128], strides = [1, 1]} : vector<48x128xf32> to vector<1x128xf32>
    %mul3A_50 = vector.broadcast %slice3A_49 : vector<1x128xf32> to vector<256x128xf32>
    %mul3A_51 = arith.mulf %slice3A, %mul3A_50 : vector<256x128xf32>
    %slice3A_52 = vector.extract_strided_slice %get3A_39 {offsets = [1, 0], sizes = [1, 128], strides = [1, 1]} : vector<48x128xf32> to vector<1x128xf32>
    %mul3A_53 = vector.broadcast %slice3A_52 : vector<1x128xf32> to vector<256x128xf32>
    %mul3A_54 = arith.mulf %slice3A_14, %mul3A_53 : vector<256x128xf32>
    %add3A_55 = arith.addf %mul3A_51, %mul3A_54 : vector<256x128xf32>
    %slice3A_56 = vector.extract_strided_slice %get3A_39 {offsets = [2, 0], sizes = [1, 128], strides = [1, 1]} : vector<48x128xf32> to vector<1x128xf32>
    %mul3A_57 = vector.broadcast %slice3A_56 : vector<1x128xf32> to vector<256x128xf32>
    %mul3A_58 = arith.mulf %slice3A_15, %mul3A_57 : vector<256x128xf32>
    %add3A_59 = arith.addf %add3A_55, %mul3A_58 : vector<256x128xf32>
    %slice3A_60 = vector.extract_strided_slice %get3A_42 {offsets = [0, 0], sizes = [1, 128], strides = [1, 1]} : vector<16x128xf32> to vector<1x128xf32>
    %add3A_61 = vector.broadcast %slice3A_60 : vector<1x128xf32> to vector<256x128xf32>
    %add3A_62 = arith.addf %add3A_59, %add3A_61 : vector<256x128xf32>
    %max3A = arith.constant 0.000000e+00 : f32
    %max3A_63 = vector.broadcast %max3A : f32 to vector<256x128xf32>
    %max3A_64 = arith.maximumf %add3A_62, %max3A_63 : vector<256x128xf32>
    %slice3A_65 = vector.extract_strided_slice %get3A_39 {offsets = [3, 0], sizes = [1, 128], strides = [1, 1]} : vector<48x128xf32> to vector<1x128xf32>
    %mul3A_66 = vector.broadcast %slice3A_65 : vector<1x128xf32> to vector<256x128xf32>
    %mul3A_67 = arith.mulf %slice3A, %mul3A_66 : vector<256x128xf32>
    %slice3A_68 = vector.extract_strided_slice %get3A_39 {offsets = [4, 0], sizes = [1, 128], strides = [1, 1]} : vector<48x128xf32> to vector<1x128xf32>
    %mul3A_69 = vector.broadcast %slice3A_68 : vector<1x128xf32> to vector<256x128xf32>
    %mul3A_70 = arith.mulf %slice3A_14, %mul3A_69 : vector<256x128xf32>
    %add3A_71 = arith.addf %mul3A_67, %mul3A_70 : vector<256x128xf32>
    %slice3A_72 = vector.extract_strided_slice %get3A_39 {offsets = [5, 0], sizes = [1, 128], strides = [1, 1]} : vector<48x128xf32> to vector<1x128xf32>
    %mul3A_73 = vector.broadcast %slice3A_72 : vector<1x128xf32> to vector<256x128xf32>
    %mul3A_74 = arith.mulf %slice3A_15, %mul3A_73 : vector<256x128xf32>
    %add3A_75 = arith.addf %add3A_71, %mul3A_74 : vector<256x128xf32>
    %slice3A_76 = vector.extract_strided_slice %get3A_42 {offsets = [1, 0], sizes = [1, 128], strides = [1, 1]} : vector<16x128xf32> to vector<1x128xf32>
    %add3A_77 = vector.broadcast %slice3A_76 : vector<1x128xf32> to vector<256x128xf32>
    %add3A_78 = arith.addf %add3A_75, %add3A_77 : vector<256x128xf32>
    %max3A_79 = arith.constant 0.000000e+00 : f32
    %max3A_80 = vector.broadcast %max3A_79 : f32 to vector<256x128xf32>
    %max3A_81 = arith.maximumf %add3A_78, %max3A_80 : vector<256x128xf32>
    %slice3A_82 = vector.extract_strided_slice %get3A_39 {offsets = [6, 0], sizes = [1, 128], strides = [1, 1]} : vector<48x128xf32> to vector<1x128xf32>
    %mul3A_83 = vector.broadcast %slice3A_82 : vector<1x128xf32> to vector<256x128xf32>
    %mul3A_84 = arith.mulf %slice3A, %mul3A_83 : vector<256x128xf32>
    %slice3A_85 = vector.extract_strided_slice %get3A_39 {offsets = [7, 0], sizes = [1, 128], strides = [1, 1]} : vector<48x128xf32> to vector<1x128xf32>
    %mul3A_86 = vector.broadcast %slice3A_85 : vector<1x128xf32> to vector<256x128xf32>
    %mul3A_87 = arith.mulf %slice3A_14, %mul3A_86 : vector<256x128xf32>
    %add3A_88 = arith.addf %mul3A_84, %mul3A_87 : vector<256x128xf32>
    %slice3A_89 = vector.extract_strided_slice %get3A_39 {offsets = [8, 0], sizes = [1, 128], strides = [1, 1]} : vector<48x128xf32> to vector<1x128xf32>
    %mul3A_90 = vector.broadcast %slice3A_89 : vector<1x128xf32> to vector<256x128xf32>
    %mul3A_91 = arith.mulf %slice3A_15, %mul3A_90 : vector<256x128xf32>
    %add3A_92 = arith.addf %add3A_88, %mul3A_91 : vector<256x128xf32>
    %slice3A_93 = vector.extract_strided_slice %get3A_42 {offsets = [2, 0], sizes = [1, 128], strides = [1, 1]} : vector<16x128xf32> to vector<1x128xf32>
    %add3A_94 = vector.broadcast %slice3A_93 : vector<1x128xf32> to vector<256x128xf32>
    %add3A_95 = arith.addf %add3A_92, %add3A_94 : vector<256x128xf32>
    %max3A_96 = arith.constant 0.000000e+00 : f32
    %max3A_97 = vector.broadcast %max3A_96 : f32 to vector<256x128xf32>
    %max3A_98 = arith.maximumf %add3A_95, %max3A_97 : vector<256x128xf32>
    %slice3A_99 = vector.extract_strided_slice %get3A_39 {offsets = [9, 0], sizes = [1, 128], strides = [1, 1]} : vector<48x128xf32> to vector<1x128xf32>
    %mul3A_100 = vector.broadcast %slice3A_99 : vector<1x128xf32> to vector<256x128xf32>
    %mul3A_101 = arith.mulf %slice3A, %mul3A_100 : vector<256x128xf32>
    %slice3A_102 = vector.extract_strided_slice %get3A_39 {offsets = [10, 0], sizes = [1, 128], strides = [1, 1]} : vector<48x128xf32> to vector<1x128xf32>
    %mul3A_103 = vector.broadcast %slice3A_102 : vector<1x128xf32> to vector<256x128xf32>
    %mul3A_104 = arith.mulf %slice3A_14, %mul3A_103 : vector<256x128xf32>
    %add3A_105 = arith.addf %mul3A_101, %mul3A_104 : vector<256x128xf32>
    %slice3A_106 = vector.extract_strided_slice %get3A_39 {offsets = [11, 0], sizes = [1, 128], strides = [1, 1]} : vector<48x128xf32> to vector<1x128xf32>
    %mul3A_107 = vector.broadcast %slice3A_106 : vector<1x128xf32> to vector<256x128xf32>
    %mul3A_108 = arith.mulf %slice3A_15, %mul3A_107 : vector<256x128xf32>
    %add3A_109 = arith.addf %add3A_105, %mul3A_108 : vector<256x128xf32>
    %slice3A_110 = vector.extract_strided_slice %get3A_42 {offsets = [3, 0], sizes = [1, 128], strides = [1, 1]} : vector<16x128xf32> to vector<1x128xf32>
    %add3A_111 = vector.broadcast %slice3A_110 : vector<1x128xf32> to vector<256x128xf32>
    %add3A_112 = arith.addf %add3A_109, %add3A_111 : vector<256x128xf32>
    %max3A_113 = arith.constant 0.000000e+00 : f32
    %max3A_114 = vector.broadcast %max3A_113 : f32 to vector<256x128xf32>
    %max3A_115 = arith.maximumf %add3A_112, %max3A_114 : vector<256x128xf32>
    %slice3A_116 = vector.extract_strided_slice %get3A_39 {offsets = [12, 0], sizes = [1, 128], strides = [1, 1]} : vector<48x128xf32> to vector<1x128xf32>
    %mul3A_117 = vector.broadcast %slice3A_116 : vector<1x128xf32> to vector<256x128xf32>
    %mul3A_118 = arith.mulf %slice3A, %mul3A_117 : vector<256x128xf32>
    %slice3A_119 = vector.extract_strided_slice %get3A_39 {offsets = [13, 0], sizes = [1, 128], strides = [1, 1]} : vector<48x128xf32> to vector<1x128xf32>
    %mul3A_120 = vector.broadcast %slice3A_119 : vector<1x128xf32> to vector<256x128xf32>
    %mul3A_121 = arith.mulf %slice3A_14, %mul3A_120 : vector<256x128xf32>
    %add3A_122 = arith.addf %mul3A_118, %mul3A_121 : vector<256x128xf32>
    %slice3A_123 = vector.extract_strided_slice %get3A_39 {offsets = [14, 0], sizes = [1, 128], strides = [1, 1]} : vector<48x128xf32> to vector<1x128xf32>
    %mul3A_124 = vector.broadcast %slice3A_123 : vector<1x128xf32> to vector<256x128xf32>
    %mul3A_125 = arith.mulf %slice3A_15, %mul3A_124 : vector<256x128xf32>
    %add3A_126 = arith.addf %add3A_122, %mul3A_125 : vector<256x128xf32>
    %slice3A_127 = vector.extract_strided_slice %get3A_42 {offsets = [4, 0], sizes = [1, 128], strides = [1, 1]} : vector<16x128xf32> to vector<1x128xf32>
    %add3A_128 = vector.broadcast %slice3A_127 : vector<1x128xf32> to vector<256x128xf32>
    %add3A_129 = arith.addf %add3A_126, %add3A_128 : vector<256x128xf32>
    %max3A_130 = arith.constant 0.000000e+00 : f32
    %max3A_131 = vector.broadcast %max3A_130 : f32 to vector<256x128xf32>
    %max3A_132 = arith.maximumf %add3A_129, %max3A_131 : vector<256x128xf32>
    %slice3A_133 = vector.extract_strided_slice %get3A_39 {offsets = [15, 0], sizes = [1, 128], strides = [1, 1]} : vector<48x128xf32> to vector<1x128xf32>
    %mul3A_134 = vector.broadcast %slice3A_133 : vector<1x128xf32> to vector<256x128xf32>
    %mul3A_135 = arith.mulf %slice3A, %mul3A_134 : vector<256x128xf32>
    %slice3A_136 = vector.extract_strided_slice %get3A_39 {offsets = [16, 0], sizes = [1, 128], strides = [1, 1]} : vector<48x128xf32> to vector<1x128xf32>
    %mul3A_137 = vector.broadcast %slice3A_136 : vector<1x128xf32> to vector<256x128xf32>
    %mul3A_138 = arith.mulf %slice3A_14, %mul3A_137 : vector<256x128xf32>
    %add3A_139 = arith.addf %mul3A_135, %mul3A_138 : vector<256x128xf32>
    %slice3A_140 = vector.extract_strided_slice %get3A_39 {offsets = [17, 0], sizes = [1, 128], strides = [1, 1]} : vector<48x128xf32> to vector<1x128xf32>
    %mul3A_141 = vector.broadcast %slice3A_140 : vector<1x128xf32> to vector<256x128xf32>
    %mul3A_142 = arith.mulf %slice3A_15, %mul3A_141 : vector<256x128xf32>
    %add3A_143 = arith.addf %add3A_139, %mul3A_142 : vector<256x128xf32>
    %slice3A_144 = vector.extract_strided_slice %get3A_42 {offsets = [5, 0], sizes = [1, 128], strides = [1, 1]} : vector<16x128xf32> to vector<1x128xf32>
    %add3A_145 = vector.broadcast %slice3A_144 : vector<1x128xf32> to vector<256x128xf32>
    %add3A_146 = arith.addf %add3A_143, %add3A_145 : vector<256x128xf32>
    %max3A_147 = arith.constant 0.000000e+00 : f32
    %max3A_148 = vector.broadcast %max3A_147 : f32 to vector<256x128xf32>
    %max3A_149 = arith.maximumf %add3A_146, %max3A_148 : vector<256x128xf32>
    %slice3A_150 = vector.extract_strided_slice %get3A_39 {offsets = [18, 0], sizes = [1, 128], strides = [1, 1]} : vector<48x128xf32> to vector<1x128xf32>
    %mul3A_151 = vector.broadcast %slice3A_150 : vector<1x128xf32> to vector<256x128xf32>
    %mul3A_152 = arith.mulf %slice3A, %mul3A_151 : vector<256x128xf32>
    %slice3A_153 = vector.extract_strided_slice %get3A_39 {offsets = [19, 0], sizes = [1, 128], strides = [1, 1]} : vector<48x128xf32> to vector<1x128xf32>
    %mul3A_154 = vector.broadcast %slice3A_153 : vector<1x128xf32> to vector<256x128xf32>
    %mul3A_155 = arith.mulf %slice3A_14, %mul3A_154 : vector<256x128xf32>
    %add3A_156 = arith.addf %mul3A_152, %mul3A_155 : vector<256x128xf32>
    %slice3A_157 = vector.extract_strided_slice %get3A_39 {offsets = [20, 0], sizes = [1, 128], strides = [1, 1]} : vector<48x128xf32> to vector<1x128xf32>
    %mul3A_158 = vector.broadcast %slice3A_157 : vector<1x128xf32> to vector<256x128xf32>
    %mul3A_159 = arith.mulf %slice3A_15, %mul3A_158 : vector<256x128xf32>
    %add3A_160 = arith.addf %add3A_156, %mul3A_159 : vector<256x128xf32>
    %slice3A_161 = vector.extract_strided_slice %get3A_42 {offsets = [6, 0], sizes = [1, 128], strides = [1, 1]} : vector<16x128xf32> to vector<1x128xf32>
    %add3A_162 = vector.broadcast %slice3A_161 : vector<1x128xf32> to vector<256x128xf32>
    %add3A_163 = arith.addf %add3A_160, %add3A_162 : vector<256x128xf32>
    %max3A_164 = arith.constant 0.000000e+00 : f32
    %max3A_165 = vector.broadcast %max3A_164 : f32 to vector<256x128xf32>
    %max3A_166 = arith.maximumf %add3A_163, %max3A_165 : vector<256x128xf32>
    %slice3A_167 = vector.extract_strided_slice %get3A_39 {offsets = [21, 0], sizes = [1, 128], strides = [1, 1]} : vector<48x128xf32> to vector<1x128xf32>
    %mul3A_168 = vector.broadcast %slice3A_167 : vector<1x128xf32> to vector<256x128xf32>
    %mul3A_169 = arith.mulf %slice3A, %mul3A_168 : vector<256x128xf32>
    %slice3A_170 = vector.extract_strided_slice %get3A_39 {offsets = [22, 0], sizes = [1, 128], strides = [1, 1]} : vector<48x128xf32> to vector<1x128xf32>
    %mul3A_171 = vector.broadcast %slice3A_170 : vector<1x128xf32> to vector<256x128xf32>
    %mul3A_172 = arith.mulf %slice3A_14, %mul3A_171 : vector<256x128xf32>
    %add3A_173 = arith.addf %mul3A_169, %mul3A_172 : vector<256x128xf32>
    %slice3A_174 = vector.extract_strided_slice %get3A_39 {offsets = [23, 0], sizes = [1, 128], strides = [1, 1]} : vector<48x128xf32> to vector<1x128xf32>
    %mul3A_175 = vector.broadcast %slice3A_174 : vector<1x128xf32> to vector<256x128xf32>
    %mul3A_176 = arith.mulf %slice3A_15, %mul3A_175 : vector<256x128xf32>
    %add3A_177 = arith.addf %add3A_173, %mul3A_176 : vector<256x128xf32>
    %slice3A_178 = vector.extract_strided_slice %get3A_42 {offsets = [7, 0], sizes = [1, 128], strides = [1, 1]} : vector<16x128xf32> to vector<1x128xf32>
    %add3A_179 = vector.broadcast %slice3A_178 : vector<1x128xf32> to vector<256x128xf32>
    %add3A_180 = arith.addf %add3A_177, %add3A_179 : vector<256x128xf32>
    %max3A_181 = arith.constant 0.000000e+00 : f32
    %max3A_182 = vector.broadcast %max3A_181 : f32 to vector<256x128xf32>
    %max3A_183 = arith.maximumf %add3A_180, %max3A_182 : vector<256x128xf32>
    %slice3A_184 = vector.extract_strided_slice %get3A_39 {offsets = [24, 0], sizes = [1, 128], strides = [1, 1]} : vector<48x128xf32> to vector<1x128xf32>
    %mul3A_185 = vector.broadcast %slice3A_184 : vector<1x128xf32> to vector<256x128xf32>
    %mul3A_186 = arith.mulf %slice3A, %mul3A_185 : vector<256x128xf32>
    %slice3A_187 = vector.extract_strided_slice %get3A_39 {offsets = [25, 0], sizes = [1, 128], strides = [1, 1]} : vector<48x128xf32> to vector<1x128xf32>
    %mul3A_188 = vector.broadcast %slice3A_187 : vector<1x128xf32> to vector<256x128xf32>
    %mul3A_189 = arith.mulf %slice3A_14, %mul3A_188 : vector<256x128xf32>
    %add3A_190 = arith.addf %mul3A_186, %mul3A_189 : vector<256x128xf32>
    %slice3A_191 = vector.extract_strided_slice %get3A_39 {offsets = [26, 0], sizes = [1, 128], strides = [1, 1]} : vector<48x128xf32> to vector<1x128xf32>
    %mul3A_192 = vector.broadcast %slice3A_191 : vector<1x128xf32> to vector<256x128xf32>
    %mul3A_193 = arith.mulf %slice3A_15, %mul3A_192 : vector<256x128xf32>
    %add3A_194 = arith.addf %add3A_190, %mul3A_193 : vector<256x128xf32>
    %slice3A_195 = vector.extract_strided_slice %get3A_42 {offsets = [8, 0], sizes = [1, 128], strides = [1, 1]} : vector<16x128xf32> to vector<1x128xf32>
    %add3A_196 = vector.broadcast %slice3A_195 : vector<1x128xf32> to vector<256x128xf32>
    %add3A_197 = arith.addf %add3A_194, %add3A_196 : vector<256x128xf32>
    %max3A_198 = arith.constant 0.000000e+00 : f32
    %max3A_199 = vector.broadcast %max3A_198 : f32 to vector<256x128xf32>
    %max3A_200 = arith.maximumf %add3A_197, %max3A_199 : vector<256x128xf32>
    %slice3A_201 = vector.extract_strided_slice %get3A_39 {offsets = [27, 0], sizes = [1, 128], strides = [1, 1]} : vector<48x128xf32> to vector<1x128xf32>
    %mul3A_202 = vector.broadcast %slice3A_201 : vector<1x128xf32> to vector<256x128xf32>
    %mul3A_203 = arith.mulf %slice3A, %mul3A_202 : vector<256x128xf32>
    %slice3A_204 = vector.extract_strided_slice %get3A_39 {offsets = [28, 0], sizes = [1, 128], strides = [1, 1]} : vector<48x128xf32> to vector<1x128xf32>
    %mul3A_205 = vector.broadcast %slice3A_204 : vector<1x128xf32> to vector<256x128xf32>
    %mul3A_206 = arith.mulf %slice3A_14, %mul3A_205 : vector<256x128xf32>
    %add3A_207 = arith.addf %mul3A_203, %mul3A_206 : vector<256x128xf32>
    %slice3A_208 = vector.extract_strided_slice %get3A_39 {offsets = [29, 0], sizes = [1, 128], strides = [1, 1]} : vector<48x128xf32> to vector<1x128xf32>
    %mul3A_209 = vector.broadcast %slice3A_208 : vector<1x128xf32> to vector<256x128xf32>
    %mul3A_210 = arith.mulf %slice3A_15, %mul3A_209 : vector<256x128xf32>
    %add3A_211 = arith.addf %add3A_207, %mul3A_210 : vector<256x128xf32>
    %slice3A_212 = vector.extract_strided_slice %get3A_42 {offsets = [9, 0], sizes = [1, 128], strides = [1, 1]} : vector<16x128xf32> to vector<1x128xf32>
    %add3A_213 = vector.broadcast %slice3A_212 : vector<1x128xf32> to vector<256x128xf32>
    %add3A_214 = arith.addf %add3A_211, %add3A_213 : vector<256x128xf32>
    %max3A_215 = arith.constant 0.000000e+00 : f32
    %max3A_216 = vector.broadcast %max3A_215 : f32 to vector<256x128xf32>
    %max3A_217 = arith.maximumf %add3A_214, %max3A_216 : vector<256x128xf32>
    %slice3A_218 = vector.extract_strided_slice %get3A_39 {offsets = [30, 0], sizes = [1, 128], strides = [1, 1]} : vector<48x128xf32> to vector<1x128xf32>
    %mul3A_219 = vector.broadcast %slice3A_218 : vector<1x128xf32> to vector<256x128xf32>
    %mul3A_220 = arith.mulf %slice3A, %mul3A_219 : vector<256x128xf32>
    %slice3A_221 = vector.extract_strided_slice %get3A_39 {offsets = [31, 0], sizes = [1, 128], strides = [1, 1]} : vector<48x128xf32> to vector<1x128xf32>
    %mul3A_222 = vector.broadcast %slice3A_221 : vector<1x128xf32> to vector<256x128xf32>
    %mul3A_223 = arith.mulf %slice3A_14, %mul3A_222 : vector<256x128xf32>
    %add3A_224 = arith.addf %mul3A_220, %mul3A_223 : vector<256x128xf32>
    %slice3A_225 = vector.extract_strided_slice %get3A_39 {offsets = [32, 0], sizes = [1, 128], strides = [1, 1]} : vector<48x128xf32> to vector<1x128xf32>
    %mul3A_226 = vector.broadcast %slice3A_225 : vector<1x128xf32> to vector<256x128xf32>
    %mul3A_227 = arith.mulf %slice3A_15, %mul3A_226 : vector<256x128xf32>
    %add3A_228 = arith.addf %add3A_224, %mul3A_227 : vector<256x128xf32>
    %slice3A_229 = vector.extract_strided_slice %get3A_42 {offsets = [10, 0], sizes = [1, 128], strides = [1, 1]} : vector<16x128xf32> to vector<1x128xf32>
    %add3A_230 = vector.broadcast %slice3A_229 : vector<1x128xf32> to vector<256x128xf32>
    %add3A_231 = arith.addf %add3A_228, %add3A_230 : vector<256x128xf32>
    %max3A_232 = arith.constant 0.000000e+00 : f32
    %max3A_233 = vector.broadcast %max3A_232 : f32 to vector<256x128xf32>
    %max3A_234 = arith.maximumf %add3A_231, %max3A_233 : vector<256x128xf32>
    %slice3A_235 = vector.extract_strided_slice %get3A_39 {offsets = [33, 0], sizes = [1, 128], strides = [1, 1]} : vector<48x128xf32> to vector<1x128xf32>
    %mul3A_236 = vector.broadcast %slice3A_235 : vector<1x128xf32> to vector<256x128xf32>
    %mul3A_237 = arith.mulf %slice3A, %mul3A_236 : vector<256x128xf32>
    %slice3A_238 = vector.extract_strided_slice %get3A_39 {offsets = [34, 0], sizes = [1, 128], strides = [1, 1]} : vector<48x128xf32> to vector<1x128xf32>
    %mul3A_239 = vector.broadcast %slice3A_238 : vector<1x128xf32> to vector<256x128xf32>
    %mul3A_240 = arith.mulf %slice3A_14, %mul3A_239 : vector<256x128xf32>
    %add3A_241 = arith.addf %mul3A_237, %mul3A_240 : vector<256x128xf32>
    %slice3A_242 = vector.extract_strided_slice %get3A_39 {offsets = [35, 0], sizes = [1, 128], strides = [1, 1]} : vector<48x128xf32> to vector<1x128xf32>
    %mul3A_243 = vector.broadcast %slice3A_242 : vector<1x128xf32> to vector<256x128xf32>
    %mul3A_244 = arith.mulf %slice3A_15, %mul3A_243 : vector<256x128xf32>
    %add3A_245 = arith.addf %add3A_241, %mul3A_244 : vector<256x128xf32>
    %slice3A_246 = vector.extract_strided_slice %get3A_42 {offsets = [11, 0], sizes = [1, 128], strides = [1, 1]} : vector<16x128xf32> to vector<1x128xf32>
    %add3A_247 = vector.broadcast %slice3A_246 : vector<1x128xf32> to vector<256x128xf32>
    %add3A_248 = arith.addf %add3A_245, %add3A_247 : vector<256x128xf32>
    %max3A_249 = arith.constant 0.000000e+00 : f32
    %max3A_250 = vector.broadcast %max3A_249 : f32 to vector<256x128xf32>
    %max3A_251 = arith.maximumf %add3A_248, %max3A_250 : vector<256x128xf32>
    %slice3A_252 = vector.extract_strided_slice %get3A_39 {offsets = [36, 0], sizes = [1, 128], strides = [1, 1]} : vector<48x128xf32> to vector<1x128xf32>
    %mul3A_253 = vector.broadcast %slice3A_252 : vector<1x128xf32> to vector<256x128xf32>
    %mul3A_254 = arith.mulf %slice3A, %mul3A_253 : vector<256x128xf32>
    %slice3A_255 = vector.extract_strided_slice %get3A_39 {offsets = [37, 0], sizes = [1, 128], strides = [1, 1]} : vector<48x128xf32> to vector<1x128xf32>
    %mul3A_256 = vector.broadcast %slice3A_255 : vector<1x128xf32> to vector<256x128xf32>
    %mul3A_257 = arith.mulf %slice3A_14, %mul3A_256 : vector<256x128xf32>
    %add3A_258 = arith.addf %mul3A_254, %mul3A_257 : vector<256x128xf32>
    %slice3A_259 = vector.extract_strided_slice %get3A_39 {offsets = [38, 0], sizes = [1, 128], strides = [1, 1]} : vector<48x128xf32> to vector<1x128xf32>
    %mul3A_260 = vector.broadcast %slice3A_259 : vector<1x128xf32> to vector<256x128xf32>
    %mul3A_261 = arith.mulf %slice3A_15, %mul3A_260 : vector<256x128xf32>
    %add3A_262 = arith.addf %add3A_258, %mul3A_261 : vector<256x128xf32>
    %slice3A_263 = vector.extract_strided_slice %get3A_42 {offsets = [12, 0], sizes = [1, 128], strides = [1, 1]} : vector<16x128xf32> to vector<1x128xf32>
    %add3A_264 = vector.broadcast %slice3A_263 : vector<1x128xf32> to vector<256x128xf32>
    %add3A_265 = arith.addf %add3A_262, %add3A_264 : vector<256x128xf32>
    %max3A_266 = arith.constant 0.000000e+00 : f32
    %max3A_267 = vector.broadcast %max3A_266 : f32 to vector<256x128xf32>
    %max3A_268 = arith.maximumf %add3A_265, %max3A_267 : vector<256x128xf32>
    %slice3A_269 = vector.extract_strided_slice %get3A_39 {offsets = [39, 0], sizes = [1, 128], strides = [1, 1]} : vector<48x128xf32> to vector<1x128xf32>
    %mul3A_270 = vector.broadcast %slice3A_269 : vector<1x128xf32> to vector<256x128xf32>
    %mul3A_271 = arith.mulf %slice3A, %mul3A_270 : vector<256x128xf32>
    %slice3A_272 = vector.extract_strided_slice %get3A_39 {offsets = [40, 0], sizes = [1, 128], strides = [1, 1]} : vector<48x128xf32> to vector<1x128xf32>
    %mul3A_273 = vector.broadcast %slice3A_272 : vector<1x128xf32> to vector<256x128xf32>
    %mul3A_274 = arith.mulf %slice3A_14, %mul3A_273 : vector<256x128xf32>
    %add3A_275 = arith.addf %mul3A_271, %mul3A_274 : vector<256x128xf32>
    %slice3A_276 = vector.extract_strided_slice %get3A_39 {offsets = [41, 0], sizes = [1, 128], strides = [1, 1]} : vector<48x128xf32> to vector<1x128xf32>
    %mul3A_277 = vector.broadcast %slice3A_276 : vector<1x128xf32> to vector<256x128xf32>
    %mul3A_278 = arith.mulf %slice3A_15, %mul3A_277 : vector<256x128xf32>
    %add3A_279 = arith.addf %add3A_275, %mul3A_278 : vector<256x128xf32>
    %slice3A_280 = vector.extract_strided_slice %get3A_42 {offsets = [13, 0], sizes = [1, 128], strides = [1, 1]} : vector<16x128xf32> to vector<1x128xf32>
    %add3A_281 = vector.broadcast %slice3A_280 : vector<1x128xf32> to vector<256x128xf32>
    %add3A_282 = arith.addf %add3A_279, %add3A_281 : vector<256x128xf32>
    %max3A_283 = arith.constant 0.000000e+00 : f32
    %max3A_284 = vector.broadcast %max3A_283 : f32 to vector<256x128xf32>
    %max3A_285 = arith.maximumf %add3A_282, %max3A_284 : vector<256x128xf32>
    %slice3A_286 = vector.extract_strided_slice %get3A_39 {offsets = [42, 0], sizes = [1, 128], strides = [1, 1]} : vector<48x128xf32> to vector<1x128xf32>
    %mul3A_287 = vector.broadcast %slice3A_286 : vector<1x128xf32> to vector<256x128xf32>
    %mul3A_288 = arith.mulf %slice3A, %mul3A_287 : vector<256x128xf32>
    %slice3A_289 = vector.extract_strided_slice %get3A_39 {offsets = [43, 0], sizes = [1, 128], strides = [1, 1]} : vector<48x128xf32> to vector<1x128xf32>
    %mul3A_290 = vector.broadcast %slice3A_289 : vector<1x128xf32> to vector<256x128xf32>
    %mul3A_291 = arith.mulf %slice3A_14, %mul3A_290 : vector<256x128xf32>
    %add3A_292 = arith.addf %mul3A_288, %mul3A_291 : vector<256x128xf32>
    %slice3A_293 = vector.extract_strided_slice %get3A_39 {offsets = [44, 0], sizes = [1, 128], strides = [1, 1]} : vector<48x128xf32> to vector<1x128xf32>
    %mul3A_294 = vector.broadcast %slice3A_293 : vector<1x128xf32> to vector<256x128xf32>
    %mul3A_295 = arith.mulf %slice3A_15, %mul3A_294 : vector<256x128xf32>
    %add3A_296 = arith.addf %add3A_292, %mul3A_295 : vector<256x128xf32>
    %slice3A_297 = vector.extract_strided_slice %get3A_42 {offsets = [14, 0], sizes = [1, 128], strides = [1, 1]} : vector<16x128xf32> to vector<1x128xf32>
    %add3A_298 = vector.broadcast %slice3A_297 : vector<1x128xf32> to vector<256x128xf32>
    %add3A_299 = arith.addf %add3A_296, %add3A_298 : vector<256x128xf32>
    %max3A_300 = arith.constant 0.000000e+00 : f32
    %max3A_301 = vector.broadcast %max3A_300 : f32 to vector<256x128xf32>
    %max3A_302 = arith.maximumf %add3A_299, %max3A_301 : vector<256x128xf32>
    %slice3A_303 = vector.extract_strided_slice %get3A_39 {offsets = [45, 0], sizes = [1, 128], strides = [1, 1]} : vector<48x128xf32> to vector<1x128xf32>
    %mul3A_304 = vector.broadcast %slice3A_303 : vector<1x128xf32> to vector<256x128xf32>
    %mul3A_305 = arith.mulf %slice3A, %mul3A_304 : vector<256x128xf32>
    %slice3A_306 = vector.extract_strided_slice %get3A_39 {offsets = [46, 0], sizes = [1, 128], strides = [1, 1]} : vector<48x128xf32> to vector<1x128xf32>
    %mul3A_307 = vector.broadcast %slice3A_306 : vector<1x128xf32> to vector<256x128xf32>
    %mul3A_308 = arith.mulf %slice3A_14, %mul3A_307 : vector<256x128xf32>
    %add3A_309 = arith.addf %mul3A_305, %mul3A_308 : vector<256x128xf32>
    %slice3A_310 = vector.extract_strided_slice %get3A_39 {offsets = [47, 0], sizes = [1, 128], strides = [1, 1]} : vector<48x128xf32> to vector<1x128xf32>
    %mul3A_311 = vector.broadcast %slice3A_310 : vector<1x128xf32> to vector<256x128xf32>
    %mul3A_312 = arith.mulf %slice3A_15, %mul3A_311 : vector<256x128xf32>
    %add3A_313 = arith.addf %add3A_309, %mul3A_312 : vector<256x128xf32>
    %slice3A_314 = vector.extract_strided_slice %get3A_42 {offsets = [15, 0], sizes = [1, 128], strides = [1, 1]} : vector<16x128xf32> to vector<1x128xf32>
    %add3A_315 = vector.broadcast %slice3A_314 : vector<1x128xf32> to vector<256x128xf32>
    %add3A_316 = arith.addf %add3A_313, %add3A_315 : vector<256x128xf32>
    %max3A_317 = arith.constant 0.000000e+00 : f32
    %max3A_318 = vector.broadcast %max3A_317 : f32 to vector<256x128xf32>
    %max3A_319 = arith.maximumf %add3A_316, %max3A_318 : vector<256x128xf32>
    %get3A_320 = arith.constant 0 : index
    %get3A_321 = arith.constant 0 : index
    %get3A_322 = vector.load %arg8[%get3A_320, %get3A_321] : memref<1x128xf32, #tpu.memory_space<vmem>>, vector<1x128xf32>
    %slice3A_323 = vector.extract_strided_slice %get3A_45 {offsets = [0, 0], sizes = [1, 128], strides = [1, 1]} : vector<16x128xf32> to vector<1x128xf32>
    %mul3A_324 = vector.broadcast %slice3A_323 : vector<1x128xf32> to vector<256x128xf32>
    %mul3A_325 = arith.mulf %max3A_64, %mul3A_324 : vector<256x128xf32>
    %add3A_326 = vector.broadcast %get3A_322 : vector<1x128xf32> to vector<256x128xf32>
    %add3A_327 = arith.addf %add3A_326, %mul3A_325 : vector<256x128xf32>
    %slice3A_328 = vector.extract_strided_slice %get3A_45 {offsets = [1, 0], sizes = [1, 128], strides = [1, 1]} : vector<16x128xf32> to vector<1x128xf32>
    %mul3A_329 = vector.broadcast %slice3A_328 : vector<1x128xf32> to vector<256x128xf32>
    %mul3A_330 = arith.mulf %max3A_81, %mul3A_329 : vector<256x128xf32>
    %add3A_331 = arith.addf %add3A_327, %mul3A_330 : vector<256x128xf32>
    %slice3A_332 = vector.extract_strided_slice %get3A_45 {offsets = [2, 0], sizes = [1, 128], strides = [1, 1]} : vector<16x128xf32> to vector<1x128xf32>
    %mul3A_333 = vector.broadcast %slice3A_332 : vector<1x128xf32> to vector<256x128xf32>
    %mul3A_334 = arith.mulf %max3A_98, %mul3A_333 : vector<256x128xf32>
    %add3A_335 = arith.addf %add3A_331, %mul3A_334 : vector<256x128xf32>
    %slice3A_336 = vector.extract_strided_slice %get3A_45 {offsets = [3, 0], sizes = [1, 128], strides = [1, 1]} : vector<16x128xf32> to vector<1x128xf32>
    %mul3A_337 = vector.broadcast %slice3A_336 : vector<1x128xf32> to vector<256x128xf32>
    %mul3A_338 = arith.mulf %max3A_115, %mul3A_337 : vector<256x128xf32>
    %add3A_339 = arith.addf %add3A_335, %mul3A_338 : vector<256x128xf32>
    %slice3A_340 = vector.extract_strided_slice %get3A_45 {offsets = [4, 0], sizes = [1, 128], strides = [1, 1]} : vector<16x128xf32> to vector<1x128xf32>
    %mul3A_341 = vector.broadcast %slice3A_340 : vector<1x128xf32> to vector<256x128xf32>
    %mul3A_342 = arith.mulf %max3A_132, %mul3A_341 : vector<256x128xf32>
    %add3A_343 = arith.addf %add3A_339, %mul3A_342 : vector<256x128xf32>
    %slice3A_344 = vector.extract_strided_slice %get3A_45 {offsets = [5, 0], sizes = [1, 128], strides = [1, 1]} : vector<16x128xf32> to vector<1x128xf32>
    %mul3A_345 = vector.broadcast %slice3A_344 : vector<1x128xf32> to vector<256x128xf32>
    %mul3A_346 = arith.mulf %max3A_149, %mul3A_345 : vector<256x128xf32>
    %add3A_347 = arith.addf %add3A_343, %mul3A_346 : vector<256x128xf32>
    %slice3A_348 = vector.extract_strided_slice %get3A_45 {offsets = [6, 0], sizes = [1, 128], strides = [1, 1]} : vector<16x128xf32> to vector<1x128xf32>
    %mul3A_349 = vector.broadcast %slice3A_348 : vector<1x128xf32> to vector<256x128xf32>
    %mul3A_350 = arith.mulf %max3A_166, %mul3A_349 : vector<256x128xf32>
    %add3A_351 = arith.addf %add3A_347, %mul3A_350 : vector<256x128xf32>
    %slice3A_352 = vector.extract_strided_slice %get3A_45 {offsets = [7, 0], sizes = [1, 128], strides = [1, 1]} : vector<16x128xf32> to vector<1x128xf32>
    %mul3A_353 = vector.broadcast %slice3A_352 : vector<1x128xf32> to vector<256x128xf32>
    %mul3A_354 = arith.mulf %max3A_183, %mul3A_353 : vector<256x128xf32>
    %add3A_355 = arith.addf %add3A_351, %mul3A_354 : vector<256x128xf32>
    %slice3A_356 = vector.extract_strided_slice %get3A_45 {offsets = [8, 0], sizes = [1, 128], strides = [1, 1]} : vector<16x128xf32> to vector<1x128xf32>
    %mul3A_357 = vector.broadcast %slice3A_356 : vector<1x128xf32> to vector<256x128xf32>
    %mul3A_358 = arith.mulf %max3A_200, %mul3A_357 : vector<256x128xf32>
    %add3A_359 = arith.addf %add3A_355, %mul3A_358 : vector<256x128xf32>
    %slice3A_360 = vector.extract_strided_slice %get3A_45 {offsets = [9, 0], sizes = [1, 128], strides = [1, 1]} : vector<16x128xf32> to vector<1x128xf32>
    %mul3A_361 = vector.broadcast %slice3A_360 : vector<1x128xf32> to vector<256x128xf32>
    %mul3A_362 = arith.mulf %max3A_217, %mul3A_361 : vector<256x128xf32>
    %add3A_363 = arith.addf %add3A_359, %mul3A_362 : vector<256x128xf32>
    %slice3A_364 = vector.extract_strided_slice %get3A_45 {offsets = [10, 0], sizes = [1, 128], strides = [1, 1]} : vector<16x128xf32> to vector<1x128xf32>
    %mul3A_365 = vector.broadcast %slice3A_364 : vector<1x128xf32> to vector<256x128xf32>
    %mul3A_366 = arith.mulf %max3A_234, %mul3A_365 : vector<256x128xf32>
    %add3A_367 = arith.addf %add3A_363, %mul3A_366 : vector<256x128xf32>
    %slice3A_368 = vector.extract_strided_slice %get3A_45 {offsets = [11, 0], sizes = [1, 128], strides = [1, 1]} : vector<16x128xf32> to vector<1x128xf32>
    %mul3A_369 = vector.broadcast %slice3A_368 : vector<1x128xf32> to vector<256x128xf32>
    %mul3A_370 = arith.mulf %max3A_251, %mul3A_369 : vector<256x128xf32>
    %add3A_371 = arith.addf %add3A_367, %mul3A_370 : vector<256x128xf32>
    %slice3A_372 = vector.extract_strided_slice %get3A_45 {offsets = [12, 0], sizes = [1, 128], strides = [1, 1]} : vector<16x128xf32> to vector<1x128xf32>
    %mul3A_373 = vector.broadcast %slice3A_372 : vector<1x128xf32> to vector<256x128xf32>
    %mul3A_374 = arith.mulf %max3A_268, %mul3A_373 : vector<256x128xf32>
    %add3A_375 = arith.addf %add3A_371, %mul3A_374 : vector<256x128xf32>
    %slice3A_376 = vector.extract_strided_slice %get3A_45 {offsets = [13, 0], sizes = [1, 128], strides = [1, 1]} : vector<16x128xf32> to vector<1x128xf32>
    %mul3A_377 = vector.broadcast %slice3A_376 : vector<1x128xf32> to vector<256x128xf32>
    %mul3A_378 = arith.mulf %max3A_285, %mul3A_377 : vector<256x128xf32>
    %add3A_379 = arith.addf %add3A_375, %mul3A_378 : vector<256x128xf32>
    %slice3A_380 = vector.extract_strided_slice %get3A_45 {offsets = [14, 0], sizes = [1, 128], strides = [1, 1]} : vector<16x128xf32> to vector<1x128xf32>
    %mul3A_381 = vector.broadcast %slice3A_380 : vector<1x128xf32> to vector<256x128xf32>
    %mul3A_382 = arith.mulf %max3A_302, %mul3A_381 : vector<256x128xf32>
    %add3A_383 = arith.addf %add3A_379, %mul3A_382 : vector<256x128xf32>
    %slice3A_384 = vector.extract_strided_slice %get3A_45 {offsets = [15, 0], sizes = [1, 128], strides = [1, 1]} : vector<16x128xf32> to vector<1x128xf32>
    %mul3A_385 = vector.broadcast %slice3A_384 : vector<1x128xf32> to vector<256x128xf32>
    %mul3A_386 = arith.mulf %max3A_319, %mul3A_385 : vector<256x128xf32>
    %add3A_387 = arith.addf %add3A_383, %mul3A_386 : vector<256x128xf32>
    %max3A_388 = arith.constant 0.000000e+00 : f32
    %max3A_389 = vector.broadcast %max3A_388 : f32 to vector<256x128xf32>
    %max3A_390 = arith.maximumf %add3A_387, %max3A_389 : vector<256x128xf32>
    %abs3A = math.absf %add3A_387 : vector<256x128xf32>
    %neg3A = arith.constant 0.000000e+00 : f32
    %neg3A_391 = vector.broadcast %neg3A : f32 to vector<256x128xf32>
    %neg3A_392 = arith.subf %neg3A_391, %abs3A : vector<256x128xf32>
    %exp3A = math.exp %neg3A_392 : vector<256x128xf32>
    %log1p3A = math.log1p %exp3A : vector<256x128xf32>
    %add3A_393 = arith.addf %max3A_390, %log1p3A : vector<256x128xf32>
    %mul3A_394 = arith.mulf %add3A_393, %convert_element_type3A_36 : vector<256x128xf32>
    %swap3A = arith.constant 0 : index
    %swap3A_395 = arith.constant 0 : index
    %swap3A_396 = vector.load %arg16[%swap3A, %swap3A_395] : memref<256x128xf32, #tpu.memory_space<vmem>>, vector<256x128xf32>
    tpu.vector_store %arg16[%swap3A, %swap3A_395], %mul3A_394 {strides = array<i32>} : memref<256x128xf32, #tpu.memory_space<vmem>>, vector<256x128xf32>,
    %slice3A_397 = vector.extract_strided_slice %get3A_48 {offsets = [0, 0], sizes = [1, 128], strides = [1, 1]} : vector<48x128xf32> to vector<1x128xf32>
    %mul3A_398 = vector.broadcast %slice3A_397 : vector<1x128xf32> to vector<256x128xf32>
    %mul3A_399 = arith.mulf %max3A_64, %mul3A_398 : vector<256x128xf32>
    %slice3A_400 = vector.extract_strided_slice %get3A_48 {offsets = [1, 0], sizes = [1, 128], strides = [1, 1]} : vector<48x128xf32> to vector<1x128xf32>
    %mul3A_401 = vector.broadcast %slice3A_400 : vector<1x128xf32> to vector<256x128xf32>
    %mul3A_402 = arith.mulf %max3A_64, %mul3A_401 : vector<256x128xf32>
    %slice3A_403 = vector.extract_strided_slice %get3A_48 {offsets = [2, 0], sizes = [1, 128], strides = [1, 1]} : vector<48x128xf32> to vector<1x128xf32>
    %mul3A_404 = vector.broadcast %slice3A_403 : vector<1x128xf32> to vector<256x128xf32>
    %mul3A_405 = arith.mulf %max3A_64, %mul3A_404 : vector<256x128xf32>
    %slice3A_406 = vector.extract_strided_slice %get3A_48 {offsets = [3, 0], sizes = [1, 128], strides = [1, 1]} : vector<48x128xf32> to vector<1x128xf32>
    %mul3A_407 = vector.broadcast %slice3A_406 : vector<1x128xf32> to vector<256x128xf32>
    %mul3A_408 = arith.mulf %max3A_81, %mul3A_407 : vector<256x128xf32>
    %add3A_409 = arith.addf %mul3A_399, %mul3A_408 : vector<256x128xf32>
    %slice3A_410 = vector.extract_strided_slice %get3A_48 {offsets = [4, 0], sizes = [1, 128], strides = [1, 1]} : vector<48x128xf32> to vector<1x128xf32>
    %mul3A_411 = vector.broadcast %slice3A_410 : vector<1x128xf32> to vector<256x128xf32>
    %mul3A_412 = arith.mulf %max3A_81, %mul3A_411 : vector<256x128xf32>
    %add3A_413 = arith.addf %mul3A_402, %mul3A_412 : vector<256x128xf32>
    %slice3A_414 = vector.extract_strided_slice %get3A_48 {offsets = [5, 0], sizes = [1, 128], strides = [1, 1]} : vector<48x128xf32> to vector<1x128xf32>
    %mul3A_415 = vector.broadcast %slice3A_414 : vector<1x128xf32> to vector<256x128xf32>
    %mul3A_416 = arith.mulf %max3A_81, %mul3A_415 : vector<256x128xf32>
    %add3A_417 = arith.addf %mul3A_405, %mul3A_416 : vector<256x128xf32>
    %slice3A_418 = vector.extract_strided_slice %get3A_48 {offsets = [6, 0], sizes = [1, 128], strides = [1, 1]} : vector<48x128xf32> to vector<1x128xf32>
    %mul3A_419 = vector.broadcast %slice3A_418 : vector<1x128xf32> to vector<256x128xf32>
    %mul3A_420 = arith.mulf %max3A_98, %mul3A_419 : vector<256x128xf32>
    %add3A_421 = arith.addf %add3A_409, %mul3A_420 : vector<256x128xf32>
    %slice3A_422 = vector.extract_strided_slice %get3A_48 {offsets = [7, 0], sizes = [1, 128], strides = [1, 1]} : vector<48x128xf32> to vector<1x128xf32>
    %mul3A_423 = vector.broadcast %slice3A_422 : vector<1x128xf32> to vector<256x128xf32>
    %mul3A_424 = arith.mulf %max3A_98, %mul3A_423 : vector<256x128xf32>
    %add3A_425 = arith.addf %add3A_413, %mul3A_424 : vector<256x128xf32>
    %slice3A_426 = vector.extract_strided_slice %get3A_48 {offsets = [8, 0], sizes = [1, 128], strides = [1, 1]} : vector<48x128xf32> to vector<1x128xf32>
    %mul3A_427 = vector.broadcast %slice3A_426 : vector<1x128xf32> to vector<256x128xf32>
    %mul3A_428 = arith.mulf %max3A_98, %mul3A_427 : vector<256x128xf32>
    %add3A_429 = arith.addf %add3A_417, %mul3A_428 : vector<256x128xf32>
    %slice3A_430 = vector.extract_strided_slice %get3A_48 {offsets = [9, 0], sizes = [1, 128], strides = [1, 1]} : vector<48x128xf32> to vector<1x128xf32>
    %mul3A_431 = vector.broadcast %slice3A_430 : vector<1x128xf32> to vector<256x128xf32>
    %mul3A_432 = arith.mulf %max3A_115, %mul3A_431 : vector<256x128xf32>
    %add3A_433 = arith.addf %add3A_421, %mul3A_432 : vector<256x128xf32>
    %slice3A_434 = vector.extract_strided_slice %get3A_48 {offsets = [10, 0], sizes = [1, 128], strides = [1, 1]} : vector<48x128xf32> to vector<1x128xf32>
    %mul3A_435 = vector.broadcast %slice3A_434 : vector<1x128xf32> to vector<256x128xf32>
    %mul3A_436 = arith.mulf %max3A_115, %mul3A_435 : vector<256x128xf32>
    %add3A_437 = arith.addf %add3A_425, %mul3A_436 : vector<256x128xf32>
    %slice3A_438 = vector.extract_strided_slice %get3A_48 {offsets = [11, 0], sizes = [1, 128], strides = [1, 1]} : vector<48x128xf32> to vector<1x128xf32>
    %mul3A_439 = vector.broadcast %slice3A_438 : vector<1x128xf32> to vector<256x128xf32>
    %mul3A_440 = arith.mulf %max3A_115, %mul3A_439 : vector<256x128xf32>
    %add3A_441 = arith.addf %add3A_429, %mul3A_440 : vector<256x128xf32>
    %slice3A_442 = vector.extract_strided_slice %get3A_48 {offsets = [12, 0], sizes = [1, 128], strides = [1, 1]} : vector<48x128xf32> to vector<1x128xf32>
    %mul3A_443 = vector.broadcast %slice3A_442 : vector<1x128xf32> to vector<256x128xf32>
    %mul3A_444 = arith.mulf %max3A_132, %mul3A_443 : vector<256x128xf32>
    %add3A_445 = arith.addf %add3A_433, %mul3A_444 : vector<256x128xf32>
    %slice3A_446 = vector.extract_strided_slice %get3A_48 {offsets = [13, 0], sizes = [1, 128], strides = [1, 1]} : vector<48x128xf32> to vector<1x128xf32>
    %mul3A_447 = vector.broadcast %slice3A_446 : vector<1x128xf32> to vector<256x128xf32>
    %mul3A_448 = arith.mulf %max3A_132, %mul3A_447 : vector<256x128xf32>
    %add3A_449 = arith.addf %add3A_437, %mul3A_448 : vector<256x128xf32>
    %slice3A_450 = vector.extract_strided_slice %get3A_48 {offsets = [14, 0], sizes = [1, 128], strides = [1, 1]} : vector<48x128xf32> to vector<1x128xf32>
    %mul3A_451 = vector.broadcast %slice3A_450 : vector<1x128xf32> to vector<256x128xf32>
    %mul3A_452 = arith.mulf %max3A_132, %mul3A_451 : vector<256x128xf32>
    %add3A_453 = arith.addf %add3A_441, %mul3A_452 : vector<256x128xf32>
    %slice3A_454 = vector.extract_strided_slice %get3A_48 {offsets = [15, 0], sizes = [1, 128], strides = [1, 1]} : vector<48x128xf32> to vector<1x128xf32>
    %mul3A_455 = vector.broadcast %slice3A_454 : vector<1x128xf32> to vector<256x128xf32>
    %mul3A_456 = arith.mulf %max3A_149, %mul3A_455 : vector<256x128xf32>
    %add3A_457 = arith.addf %add3A_445, %mul3A_456 : vector<256x128xf32>
    %slice3A_458 = vector.extract_strided_slice %get3A_48 {offsets = [16, 0], sizes = [1, 128], strides = [1, 1]} : vector<48x128xf32> to vector<1x128xf32>
    %mul3A_459 = vector.broadcast %slice3A_458 : vector<1x128xf32> to vector<256x128xf32>
    %mul3A_460 = arith.mulf %max3A_149, %mul3A_459 : vector<256x128xf32>
    %add3A_461 = arith.addf %add3A_449, %mul3A_460 : vector<256x128xf32>
    %slice3A_462 = vector.extract_strided_slice %get3A_48 {offsets = [17, 0], sizes = [1, 128], strides = [1, 1]} : vector<48x128xf32> to vector<1x128xf32>
    %mul3A_463 = vector.broadcast %slice3A_462 : vector<1x128xf32> to vector<256x128xf32>
    %mul3A_464 = arith.mulf %max3A_149, %mul3A_463 : vector<256x128xf32>
    %add3A_465 = arith.addf %add3A_453, %mul3A_464 : vector<256x128xf32>
    %slice3A_466 = vector.extract_strided_slice %get3A_48 {offsets = [18, 0], sizes = [1, 128], strides = [1, 1]} : vector<48x128xf32> to vector<1x128xf32>
    %mul3A_467 = vector.broadcast %slice3A_466 : vector<1x128xf32> to vector<256x128xf32>
    %mul3A_468 = arith.mulf %max3A_166, %mul3A_467 : vector<256x128xf32>
    %add3A_469 = arith.addf %add3A_457, %mul3A_468 : vector<256x128xf32>
    %slice3A_470 = vector.extract_strided_slice %get3A_48 {offsets = [19, 0], sizes = [1, 128], strides = [1, 1]} : vector<48x128xf32> to vector<1x128xf32>
    %mul3A_471 = vector.broadcast %slice3A_470 : vector<1x128xf32> to vector<256x128xf32>
    %mul3A_472 = arith.mulf %max3A_166, %mul3A_471 : vector<256x128xf32>
    %add3A_473 = arith.addf %add3A_461, %mul3A_472 : vector<256x128xf32>
    %slice3A_474 = vector.extract_strided_slice %get3A_48 {offsets = [20, 0], sizes = [1, 128], strides = [1, 1]} : vector<48x128xf32> to vector<1x128xf32>
    %mul3A_475 = vector.broadcast %slice3A_474 : vector<1x128xf32> to vector<256x128xf32>
    %mul3A_476 = arith.mulf %max3A_166, %mul3A_475 : vector<256x128xf32>
    %add3A_477 = arith.addf %add3A_465, %mul3A_476 : vector<256x128xf32>
    %slice3A_478 = vector.extract_strided_slice %get3A_48 {offsets = [21, 0], sizes = [1, 128], strides = [1, 1]} : vector<48x128xf32> to vector<1x128xf32>
    %mul3A_479 = vector.broadcast %slice3A_478 : vector<1x128xf32> to vector<256x128xf32>
    %mul3A_480 = arith.mulf %max3A_183, %mul3A_479 : vector<256x128xf32>
    %add3A_481 = arith.addf %add3A_469, %mul3A_480 : vector<256x128xf32>
    %slice3A_482 = vector.extract_strided_slice %get3A_48 {offsets = [22, 0], sizes = [1, 128], strides = [1, 1]} : vector<48x128xf32> to vector<1x128xf32>
    %mul3A_483 = vector.broadcast %slice3A_482 : vector<1x128xf32> to vector<256x128xf32>
    %mul3A_484 = arith.mulf %max3A_183, %mul3A_483 : vector<256x128xf32>
    %add3A_485 = arith.addf %add3A_473, %mul3A_484 : vector<256x128xf32>
    %slice3A_486 = vector.extract_strided_slice %get3A_48 {offsets = [23, 0], sizes = [1, 128], strides = [1, 1]} : vector<48x128xf32> to vector<1x128xf32>
    %mul3A_487 = vector.broadcast %slice3A_486 : vector<1x128xf32> to vector<256x128xf32>
    %mul3A_488 = arith.mulf %max3A_183, %mul3A_487 : vector<256x128xf32>
    %add3A_489 = arith.addf %add3A_477, %mul3A_488 : vector<256x128xf32>
    %slice3A_490 = vector.extract_strided_slice %get3A_48 {offsets = [24, 0], sizes = [1, 128], strides = [1, 1]} : vector<48x128xf32> to vector<1x128xf32>
    %mul3A_491 = vector.broadcast %slice3A_490 : vector<1x128xf32> to vector<256x128xf32>
    %mul3A_492 = arith.mulf %max3A_200, %mul3A_491 : vector<256x128xf32>
    %add3A_493 = arith.addf %add3A_481, %mul3A_492 : vector<256x128xf32>
    %slice3A_494 = vector.extract_strided_slice %get3A_48 {offsets = [25, 0], sizes = [1, 128], strides = [1, 1]} : vector<48x128xf32> to vector<1x128xf32>
    %mul3A_495 = vector.broadcast %slice3A_494 : vector<1x128xf32> to vector<256x128xf32>
    %mul3A_496 = arith.mulf %max3A_200, %mul3A_495 : vector<256x128xf32>
    %add3A_497 = arith.addf %add3A_485, %mul3A_496 : vector<256x128xf32>
    %slice3A_498 = vector.extract_strided_slice %get3A_48 {offsets = [26, 0], sizes = [1, 128], strides = [1, 1]} : vector<48x128xf32> to vector<1x128xf32>
    %mul3A_499 = vector.broadcast %slice3A_498 : vector<1x128xf32> to vector<256x128xf32>
    %mul3A_500 = arith.mulf %max3A_200, %mul3A_499 : vector<256x128xf32>
    %add3A_501 = arith.addf %add3A_489, %mul3A_500 : vector<256x128xf32>
    %slice3A_502 = vector.extract_strided_slice %get3A_48 {offsets = [27, 0], sizes = [1, 128], strides = [1, 1]} : vector<48x128xf32> to vector<1x128xf32>
    %mul3A_503 = vector.broadcast %slice3A_502 : vector<1x128xf32> to vector<256x128xf32>
    %mul3A_504 = arith.mulf %max3A_217, %mul3A_503 : vector<256x128xf32>
    %add3A_505 = arith.addf %add3A_493, %mul3A_504 : vector<256x128xf32>
    %slice3A_506 = vector.extract_strided_slice %get3A_48 {offsets = [28, 0], sizes = [1, 128], strides = [1, 1]} : vector<48x128xf32> to vector<1x128xf32>
    %mul3A_507 = vector.broadcast %slice3A_506 : vector<1x128xf32> to vector<256x128xf32>
    %mul3A_508 = arith.mulf %max3A_217, %mul3A_507 : vector<256x128xf32>
    %add3A_509 = arith.addf %add3A_497, %mul3A_508 : vector<256x128xf32>
    %slice3A_510 = vector.extract_strided_slice %get3A_48 {offsets = [29, 0], sizes = [1, 128], strides = [1, 1]} : vector<48x128xf32> to vector<1x128xf32>
    %mul3A_511 = vector.broadcast %slice3A_510 : vector<1x128xf32> to vector<256x128xf32>
    %mul3A_512 = arith.mulf %max3A_217, %mul3A_511 : vector<256x128xf32>
    %add3A_513 = arith.addf %add3A_501, %mul3A_512 : vector<256x128xf32>
    %slice3A_514 = vector.extract_strided_slice %get3A_48 {offsets = [30, 0], sizes = [1, 128], strides = [1, 1]} : vector<48x128xf32> to vector<1x128xf32>
    %mul3A_515 = vector.broadcast %slice3A_514 : vector<1x128xf32> to vector<256x128xf32>
    %mul3A_516 = arith.mulf %max3A_234, %mul3A_515 : vector<256x128xf32>
    %add3A_517 = arith.addf %add3A_505, %mul3A_516 : vector<256x128xf32>
    %slice3A_518 = vector.extract_strided_slice %get3A_48 {offsets = [31, 0], sizes = [1, 128], strides = [1, 1]} : vector<48x128xf32> to vector<1x128xf32>
    %mul3A_519 = vector.broadcast %slice3A_518 : vector<1x128xf32> to vector<256x128xf32>
    %mul3A_520 = arith.mulf %max3A_234, %mul3A_519 : vector<256x128xf32>
    %add3A_521 = arith.addf %add3A_509, %mul3A_520 : vector<256x128xf32>
    %slice3A_522 = vector.extract_strided_slice %get3A_48 {offsets = [32, 0], sizes = [1, 128], strides = [1, 1]} : vector<48x128xf32> to vector<1x128xf32>
    %mul3A_523 = vector.broadcast %slice3A_522 : vector<1x128xf32> to vector<256x128xf32>
    %mul3A_524 = arith.mulf %max3A_234, %mul3A_523 : vector<256x128xf32>
    %add3A_525 = arith.addf %add3A_513, %mul3A_524 : vector<256x128xf32>
    %slice3A_526 = vector.extract_strided_slice %get3A_48 {offsets = [33, 0], sizes = [1, 128], strides = [1, 1]} : vector<48x128xf32> to vector<1x128xf32>
    %mul3A_527 = vector.broadcast %slice3A_526 : vector<1x128xf32> to vector<256x128xf32>
    %mul3A_528 = arith.mulf %max3A_251, %mul3A_527 : vector<256x128xf32>
    %add3A_529 = arith.addf %add3A_517, %mul3A_528 : vector<256x128xf32>
    %slice3A_530 = vector.extract_strided_slice %get3A_48 {offsets = [34, 0], sizes = [1, 128], strides = [1, 1]} : vector<48x128xf32> to vector<1x128xf32>
    %mul3A_531 = vector.broadcast %slice3A_530 : vector<1x128xf32> to vector<256x128xf32>
    %mul3A_532 = arith.mulf %max3A_251, %mul3A_531 : vector<256x128xf32>
    %add3A_533 = arith.addf %add3A_521, %mul3A_532 : vector<256x128xf32>
    %slice3A_534 = vector.extract_strided_slice %get3A_48 {offsets = [35, 0], sizes = [1, 128], strides = [1, 1]} : vector<48x128xf32> to vector<1x128xf32>
    %mul3A_535 = vector.broadcast %slice3A_534 : vector<1x128xf32> to vector<256x128xf32>
    %mul3A_536 = arith.mulf %max3A_251, %mul3A_535 : vector<256x128xf32>
    %add3A_537 = arith.addf %add3A_525, %mul3A_536 : vector<256x128xf32>
    %slice3A_538 = vector.extract_strided_slice %get3A_48 {offsets = [36, 0], sizes = [1, 128], strides = [1, 1]} : vector<48x128xf32> to vector<1x128xf32>
    %mul3A_539 = vector.broadcast %slice3A_538 : vector<1x128xf32> to vector<256x128xf32>
    %mul3A_540 = arith.mulf %max3A_268, %mul3A_539 : vector<256x128xf32>
    %add3A_541 = arith.addf %add3A_529, %mul3A_540 : vector<256x128xf32>
    %slice3A_542 = vector.extract_strided_slice %get3A_48 {offsets = [37, 0], sizes = [1, 128], strides = [1, 1]} : vector<48x128xf32> to vector<1x128xf32>
    %mul3A_543 = vector.broadcast %slice3A_542 : vector<1x128xf32> to vector<256x128xf32>
    %mul3A_544 = arith.mulf %max3A_268, %mul3A_543 : vector<256x128xf32>
    %add3A_545 = arith.addf %add3A_533, %mul3A_544 : vector<256x128xf32>
    %slice3A_546 = vector.extract_strided_slice %get3A_48 {offsets = [38, 0], sizes = [1, 128], strides = [1, 1]} : vector<48x128xf32> to vector<1x128xf32>
    %mul3A_547 = vector.broadcast %slice3A_546 : vector<1x128xf32> to vector<256x128xf32>
    %mul3A_548 = arith.mulf %max3A_268, %mul3A_547 : vector<256x128xf32>
    %add3A_549 = arith.addf %add3A_537, %mul3A_548 : vector<256x128xf32>
    %slice3A_550 = vector.extract_strided_slice %get3A_48 {offsets = [39, 0], sizes = [1, 128], strides = [1, 1]} : vector<48x128xf32> to vector<1x128xf32>
    %mul3A_551 = vector.broadcast %slice3A_550 : vector<1x128xf32> to vector<256x128xf32>
    %mul3A_552 = arith.mulf %max3A_285, %mul3A_551 : vector<256x128xf32>
    %add3A_553 = arith.addf %add3A_541, %mul3A_552 : vector<256x128xf32>
    %slice3A_554 = vector.extract_strided_slice %get3A_48 {offsets = [40, 0], sizes = [1, 128], strides = [1, 1]} : vector<48x128xf32> to vector<1x128xf32>
    %mul3A_555 = vector.broadcast %slice3A_554 : vector<1x128xf32> to vector<256x128xf32>
    %mul3A_556 = arith.mulf %max3A_285, %mul3A_555 : vector<256x128xf32>
    %add3A_557 = arith.addf %add3A_545, %mul3A_556 : vector<256x128xf32>
    %slice3A_558 = vector.extract_strided_slice %get3A_48 {offsets = [41, 0], sizes = [1, 128], strides = [1, 1]} : vector<48x128xf32> to vector<1x128xf32>
    %mul3A_559 = vector.broadcast %slice3A_558 : vector<1x128xf32> to vector<256x128xf32>
    %mul3A_560 = arith.mulf %max3A_285, %mul3A_559 : vector<256x128xf32>
    %add3A_561 = arith.addf %add3A_549, %mul3A_560 : vector<256x128xf32>
    %slice3A_562 = vector.extract_strided_slice %get3A_48 {offsets = [42, 0], sizes = [1, 128], strides = [1, 1]} : vector<48x128xf32> to vector<1x128xf32>
    %mul3A_563 = vector.broadcast %slice3A_562 : vector<1x128xf32> to vector<256x128xf32>
    %mul3A_564 = arith.mulf %max3A_302, %mul3A_563 : vector<256x128xf32>
    %add3A_565 = arith.addf %add3A_553, %mul3A_564 : vector<256x128xf32>
    %slice3A_566 = vector.extract_strided_slice %get3A_48 {offsets = [43, 0], sizes = [1, 128], strides = [1, 1]} : vector<48x128xf32> to vector<1x128xf32>
    %mul3A_567 = vector.broadcast %slice3A_566 : vector<1x128xf32> to vector<256x128xf32>
    %mul3A_568 = arith.mulf %max3A_302, %mul3A_567 : vector<256x128xf32>
    %add3A_569 = arith.addf %add3A_557, %mul3A_568 : vector<256x128xf32>
    %slice3A_570 = vector.extract_strided_slice %get3A_48 {offsets = [44, 0], sizes = [1, 128], strides = [1, 1]} : vector<48x128xf32> to vector<1x128xf32>
    %mul3A_571 = vector.broadcast %slice3A_570 : vector<1x128xf32> to vector<256x128xf32>
    %mul3A_572 = arith.mulf %max3A_302, %mul3A_571 : vector<256x128xf32>
    %add3A_573 = arith.addf %add3A_561, %mul3A_572 : vector<256x128xf32>
    %slice3A_574 = vector.extract_strided_slice %get3A_48 {offsets = [45, 0], sizes = [1, 128], strides = [1, 1]} : vector<48x128xf32> to vector<1x128xf32>
    %mul3A_575 = vector.broadcast %slice3A_574 : vector<1x128xf32> to vector<256x128xf32>
    %mul3A_576 = arith.mulf %max3A_319, %mul3A_575 : vector<256x128xf32>
    %add3A_577 = arith.addf %add3A_565, %mul3A_576 : vector<256x128xf32>
    %slice3A_578 = vector.extract_strided_slice %get3A_48 {offsets = [46, 0], sizes = [1, 128], strides = [1, 1]} : vector<48x128xf32> to vector<1x128xf32>
    %mul3A_579 = vector.broadcast %slice3A_578 : vector<1x128xf32> to vector<256x128xf32>
    %mul3A_580 = arith.mulf %max3A_319, %mul3A_579 : vector<256x128xf32>
    %add3A_581 = arith.addf %add3A_569, %mul3A_580 : vector<256x128xf32>
    %slice3A_582 = vector.extract_strided_slice %get3A_48 {offsets = [47, 0], sizes = [1, 128], strides = [1, 1]} : vector<48x128xf32> to vector<1x128xf32>
    %mul3A_583 = vector.broadcast %slice3A_582 : vector<1x128xf32> to vector<256x128xf32>
    %mul3A_584 = arith.mulf %max3A_319, %mul3A_583 : vector<256x128xf32>
    %add3A_585 = arith.addf %add3A_573, %mul3A_584 : vector<256x128xf32>
    %get3A_586 = arith.constant 0 : index
    %get3A_587 = arith.constant 0 : index
    %get3A_588 = vector.load %arg2[%get3A_586, %get3A_587] : memref<256x2048xbf16, #tpu.memory_space<vmem>>, vector<256x2048xbf16>
    %get3A_589 = arith.constant 0 : index
    %get3A_590 = arith.constant 0 : index
    %get3A_591 = vector.load %arg10[%get3A_589, %get3A_590] : memref<2048x384xbf16, #tpu.memory_space<vmem>>, vector<2048x384xbf16>
    %dot_general3A_592 = arith.constant dense<0.000000e+00> : vector<256x384xf32>
    %dot_general3A_593 = tpu.matmul %get3A_588, %get3A_591, %dot_general3A_592 {dimension_numbers = #tpu.dot_dimension_numbers<[1], [0], [0], [1], [0, 0, 1, 1], [], []>, transpose_lhs_hint = false} : vector<256x2048xbf16>, vector<2048x384xbf16>, vector<256x384xf32> -> vector<256x384xf32>
    %get3A_594 = arith.constant 0 : index
    %get3A_595 = arith.constant 0 : index
    %get3A_596 = vector.load %arg11[%get3A_594, %get3A_595] : memref<128x384xf32, #tpu.memory_space<vmem>>, vector<128x384xf32>
    %dot_general3A_597 = arith.constant dense<0.000000e+00> : vector<256x384xf32>
    %dot_general3A_598 = tpu.matmul %add3A_577, %get3A_596, %dot_general3A_597 {dimension_numbers = #tpu.dot_dimension_numbers<[1], [0], [0], [1], [0, 0, 1, 1], [], []>, transpose_lhs_hint = false} : vector<256x128xf32>, vector<128x384xf32>, vector<256x384xf32> -> vector<256x384xf32>
    %get3A_599 = arith.constant 0 : index
    %get3A_600 = arith.constant 0 : index
    %get3A_601 = vector.load %arg12[%get3A_599, %get3A_600] : memref<128x384xf32, #tpu.memory_space<vmem>>, vector<128x384xf32>
    %dot_general3A_602 = arith.constant dense<0.000000e+00> : vector<256x384xf32>
    %dot_general3A_603 = tpu.matmul %add3A_581, %get3A_601, %dot_general3A_602 {dimension_numbers = #tpu.dot_dimension_numbers<[1], [0], [0], [1], [0, 0, 1, 1], [], []>, transpose_lhs_hint = false} : vector<256x128xf32>, vector<128x384xf32>, vector<256x384xf32> -> vector<256x384xf32>
    %add3A_604 = arith.addf %dot_general3A_598, %dot_general3A_603 : vector<256x384xf32>
    %get3A_605 = arith.constant 0 : index
    %get3A_606 = arith.constant 0 : index
    %get3A_607 = vector.load %arg13[%get3A_605, %get3A_606] : memref<128x384xf32, #tpu.memory_space<vmem>>, vector<128x384xf32>
    %dot_general3A_608 = arith.constant dense<0.000000e+00> : vector<256x384xf32>
    %dot_general3A_609 = tpu.matmul %add3A_585, %get3A_607, %dot_general3A_608 {dimension_numbers = #tpu.dot_dimension_numbers<[1], [0], [0], [1], [0, 0, 1, 1], [], []>, transpose_lhs_hint = false} : vector<256x128xf32>, vector<128x384xf32>, vector<256x384xf32> -> vector<256x384xf32>
    %add3A_610 = arith.addf %add3A_604, %dot_general3A_609 : vector<256x384xf32>
    %add3A_611 = arith.addf %add3A_610, %dot_general3A_593 : vector<256x384xf32>
    %get3A_612 = arith.constant 0 : index
    %get3A_613 = arith.constant 0 : index
    %get3A_614 = vector.load %arg15[%get3A_612, %get3A_613] : memref<1x384xf32, #tpu.memory_space<vmem>>, vector<1x384xf32>
    %add3A_615 = vector.broadcast %get3A_614 : vector<1x384xf32> to vector<256x384xf32>
    %add3A_616 = arith.addf %add3A_611, %add3A_615 : vector<256x384xf32>
    %get3A_617 = arith.constant 0 : index
    %get3A_618 = arith.constant 0 : index
    %get3A_619 = vector.load %arg14[%get3A_617, %get3A_618] : memref<128x384xf32, #tpu.memory_space<vmem>>, vector<128x384xf32>
    %dot_general3A_620 = arith.constant dense<0.000000e+00> : vector<256x384xf32>
    %dot_general3A_621 = tpu.matmul %convert_element_type3A_36, %get3A_619, %dot_general3A_620 {dimension_numbers = #tpu.dot_dimension_numbers<[1], [0], [0], [1], [0, 0, 1, 1], [], []>, transpose_lhs_hint = false} : vector<256x128xf32>, vector<128x384xf32>, vector<256x384xf32> -> vector<256x384xf32>
    %neg3A_622 = arith.constant 0.000000e+00 : f32
    %neg3A_623 = vector.broadcast %neg3A_622 : f32 to vector<256x384xf32>
    %neg3A_624 = arith.subf %neg3A_623, %add3A_616 : vector<256x384xf32>
    %exp3A_625 = math.exp %neg3A_624 : vector<256x384xf32>
    %add3A_626 = arith.constant 1.000000e+00 : f32
    %add3A_627 = vector.broadcast %add3A_626 : f32 to vector<256x384xf32>
    %add3A_628 = arith.addf %add3A_627, %exp3A_625 : vector<256x384xf32>
    %div3A = arith.divf %dot_general3A_621, %add3A_628 : vector<256x384xf32>
    %swap3A_629 = arith.constant 0 : index
    %swap3A_630 = arith.constant 0 : index
    %swap3A_631 = vector.load %arg17[%swap3A_629, %swap3A_630] : memref<256x384xf32, #tpu.memory_space<vmem>>, vector<256x384xf32>
    tpu.vector_store %arg17[%swap3A_629, %swap3A_630], %div3A {strides = array<i32>} : memref<256x384xf32, #tpu.memory_space<vmem>>, vector<256x384xf32>,
    return
  }
  func.func @transform_0(%arg0: i32) -> (i32, i32) {
    %c0_i32 = arith.constant 0 : i32
    %c0_i32_0 = arith.constant 0 : i32
    return %arg0, %c0_i32 : i32, i32
  }
  func.func @transform_1(%arg0: i32) -> (i32, i32) {
    %c0_i32 = arith.constant 0 : i32
    %c0_i32_0 = arith.constant 0 : i32
    return %arg0, %c0_i32 : i32, i32
  }
  func.func @transform_2(%arg0: i32) -> (i32, i32) {
    %c0_i32 = arith.constant 0 : i32
    %c0_i32_0 = arith.constant 0 : i32
    %c0_i32_1 = arith.constant 0 : i32
    return %c0_i32, %c0_i32_0 : i32, i32
  }
  func.func @transform_3(%arg0: i32) -> (i32, i32) {
    %c0_i32 = arith.constant 0 : i32
    %c0_i32_0 = arith.constant 0 : i32
    %c0_i32_1 = arith.constant 0 : i32
    return %c0_i32, %c0_i32_0 : i32, i32
  }
  func.func @transform_4(%arg0: i32) -> (i32, i32) {
    %c0_i32 = arith.constant 0 : i32
    %c0_i32_0 = arith.constant 0 : i32
    %c0_i32_1 = arith.constant 0 : i32
    return %c0_i32, %c0_i32_0 : i32, i32
  }
  func.func @transform_5(%arg0: i32) -> (i32, i32) {
    %c0_i32 = arith.constant 0 : i32
    %c0_i32_0 = arith.constant 0 : i32
    %c0_i32_1 = arith.constant 0 : i32
    return %c0_i32, %c0_i32_0 : i32, i32
  }
  func.func @transform_6(%arg0: i32) -> (i32, i32) {
    %c0_i32 = arith.constant 0 : i32
    %c0_i32_0 = arith.constant 0 : i32
    %c0_i32_1 = arith.constant 0 : i32
    return %c0_i32, %c0_i32_0 : i32, i32
  }
  func.func @transform_7(%arg0: i32) -> (i32, i32) {
    %c0_i32 = arith.constant 0 : i32
    %c0_i32_0 = arith.constant 0 : i32
    %c0_i32_1 = arith.constant 0 : i32
    return %c0_i32, %c0_i32_0 : i32, i32
  }
  func.func @transform_8(%arg0: i32) -> (i32, i32) {
    %c0_i32 = arith.constant 0 : i32
    %c0_i32_0 = arith.constant 0 : i32
    %c0_i32_1 = arith.constant 0 : i32
    return %c0_i32, %c0_i32_0 : i32, i32
  }
  func.func @transform_9(%arg0: i32) -> (i32, i32) {
    %c0_i32 = arith.constant 0 : i32
    %c0_i32_0 = arith.constant 0 : i32
    %c0_i32_1 = arith.constant 0 : i32
    return %c0_i32, %c0_i32_0 : i32, i32
  }
  func.func @transform_10(%arg0: i32) -> (i32, i32) {
    %c0_i32 = arith.constant 0 : i32
    %c0_i32_0 = arith.constant 0 : i32
    %c0_i32_1 = arith.constant 0 : i32
    return %c0_i32, %c0_i32_0 : i32, i32
  }
  func.func @transform_11(%arg0: i32) -> (i32, i32) {
    %c0_i32 = arith.constant 0 : i32
    %c0_i32_0 = arith.constant 0 : i32
    %c0_i32_1 = arith.constant 0 : i32
    return %c0_i32, %c0_i32_0 : i32, i32
  }
  func.func @transform_12(%arg0: i32) -> (i32, i32) {
    %c0_i32 = arith.constant 0 : i32
    %c0_i32_0 = arith.constant 0 : i32
    %c0_i32_1 = arith.constant 0 : i32
    return %c0_i32, %c0_i32_0 : i32, i32
  }
  func.func @transform_13(%arg0: i32) -> (i32, i32) {
    %c0_i32 = arith.constant 0 : i32
    %c0_i32_0 = arith.constant 0 : i32
    %c0_i32_1 = arith.constant 0 : i32
    return %c0_i32, %c0_i32_0 : i32, i32
  }
  func.func @transform_14(%arg0: i32) -> (i32, i32) {
    %c0_i32 = arith.constant 0 : i32
    %c0_i32_0 = arith.constant 0 : i32
    %c0_i32_1 = arith.constant 0 : i32
    return %c0_i32, %c0_i32_0 : i32, i32
  }
  func.func @transform_15(%arg0: i32) -> (i32, i32) {
    %c0_i32 = arith.constant 0 : i32
    %c0_i32_0 = arith.constant 0 : i32
    return %arg0, %c0_i32 : i32, i32
  }
  func.func @transform_16(%arg0: i32) -> (i32, i32) {
    %c0_i32 = arith.constant 0 : i32
    %c0_i32_0 = arith.constant 0 : i32
    return %arg0, %c0_i32 : i32, i32
  }
}

</mosaic_0001>

<sc_bundles>
// kernel: sparse-core-data-format-call.cloned.1.call-start
scs
called_computation_lowered:
.L_overlay_start_0:
0x0: {  	s1 =	sld [smem:$0x3FD9]  }
0x1: {  	s2 =	sld [smem:$0x3FFE];
	_ =	sdelay $0x1  }
0x2: {  	s3 =	srdreg.scid  }
0x3: {  	s0 =	sand.u32 $0x1, s3  }
0x4: {  	s17 =	sshll.u32 s0, $0xA;
	s1 =	sadd.s32 s2, s1  }
0x5: {  	s1 =	sadd.s32 s1, s17  }
0x6: {  	[smem:$0x3FBF] =	sst s1  }
0x7: {  	_ = 	snop  }
0x8: {  	(tm) =	ssettm $0x1  }
0x9: {  	s18 =	sld [smem:$0x3FFB];
	_ =	sdelay $0x3  }
0xa: {  	_ =	strace s18  }
0xb: {  	s1 =	sld [smem:$0x3FFC];
	_ =	sdelay $0x3  }
0xc: {  	_ =	strace s1  }
0xd: {  	s1 =	sld [smem:$0x3FFD];
	_ =	sdelay $0x3  }
0xe: {  	_ =	strace s1  }
0xf: {  	_ =	strace $0x8FFFFFFF  }
0x10: {  	s19 =	sld [smem:$0x3FDB];
	_ =	sdelay $0x1  }
0x11: {  	s20 =	simm.s32 $_scs_section_size  }
0x12: {  	s4 =	simm.s32 $_size__tile_overlayer_lowered;
	s5 =	simm.s32 $_tile_overlayer_lowered  }
0x13: {  	s23 =	simm.s32 $0x1BFF;
	s22 =	sshll.u32 s5, $0x1;
	s1 =	sadd.s32 s20, s19  }
0x14: {  	s6 =	simm.s32 $0x0;
	s21 =	sshll.u32 s4, $0x1;
	s4 =	sadd.s32 s22, s1  }
0x15: {  	[timem:s6], [sflag:s23] =	dma.local [hbm:s4], s21  }
0x16: {  	_ =	swait.ge [sflag:s23], s21  }
0x17: {  	s2 =	ssub.s32 $0x0, s21;
	[sflag:s23] =	ssyncset.done $0x0  }
0x18: {  	[sflag:s23] =	ssyncadd.s32 s2;
	_ =	sdelay $0x1  }
0x19: {  	s24 =	simm.s32 $0x1B8B  }
0x1a: {  	_ =	swait.ge [sflag:s24], $0x1  }
0x1b: {  	[sflag:s24] =	ssyncset.done $0x0  }
0x1c: {  	s26 =	simm.s32 $0x1B8E;
	s25 =	sld [smem:$0x3FFE];
	[sflag:s24] =	ssyncadd.s32 $0xFFFFFFFF  }
0x1d: {  	s27 =	simm.s32 $execute0_lowered;
	[smem:$0x3FD2] =	sst s26  }
0x1e: {  	s4 =	sshll.u32 s27, $0x1;
	_ =	strace $0x80000046;
	[dreg:$0x1] =	wrdreg $0xFFFFFFFF  }
0x1f: {  	s28 =	simm.s32 $_size_execute0_lowered;
	s1 =	sadd.s32 s1, s4;
	[dreg:$0x0] =	wrdreg $0x0  }
0x20: {  	s4 =	sshll.u32 s28, $0x1;
	[dreg:$0x2] =	wrdreg s1  }
0x21: {  	[dreg:$0x3] =	wrdreg s4  }
0x22: {  	[dreg:$0x4] =	wrdreg $0xC0  }
0x23: {  	_ =	task [dreg:s6], $0x5FFFF  }
0x24: {  	[dreg:$0x1] =	wrdreg $0xFFFFFFFF  }
0x25: {  	[dreg:$0x0] =	wrdreg $0x60  }
0x26: {  	[dreg:$0x2] =	wrdreg s25  }
0x27: {  	[dreg:$0x3] =	wrdreg $0x9  }
0x28: {  	_ =	task.clear_ibuf [dreg:s6], $0x4FFFF;
	_ =	strace $0x90000046  }
0x29: {  	s29 =	simm.s32 $0x9;
	_ =	strace $0x80000048  }
0x2a: {  	_ =	swait.ge [sflag:s29], $0x1  }
0x2b: {  	[sflag:s29] =	ssyncadd.s32 $0xFFFFFFFF  }
0x2c: {  	_ =	strace $0x90000048  }
0x2d: {  	_ =	sfence  }
0x2e: {  	s30 =	sld [smem:$0x0];
	_ =	sdelay $0x2  }
0x2f: {  	s31 =	sshll.u32 s3, $0xD;
	s3 =	sshrl.u32 s3, $0x2  }
0x30: {  	s2 =	sand.u32 $0x4000, s31;
	s1 =	sadd.s32 s3, s30  }
0x31: {  	s0 =	sor.u32 s2, s0;
	s1 =	sshll.u32 s1, $0x11  }
0x32: {  	s0 =	sor.u32 s1, s0  }
0x33: {  	s0 =	sadd.s32 $0x8F2B, s0  }
0x34: {  	[sflag:s0] =	ssyncadd.remote.s32 $0x1  }
0x35: {  	_ =	sfence.sel $0xFFFF  }
0x36: {  	[dreg:$0x0] =	wrdreg $0xFFFFFFFF;
	(pc) =	sbr.abs _section_cstart, $3  }
0x37: {  	[dreg:$0x1] =	wrdreg $0xFFFFFFFF  }
0x38: {  	_ =	task.clear_ibuf [dreg:s6], $0x2FFFF;
	_ =	strace $0x9FFFFFFF  }
0x39: {  	(tm) =	ssettm $0x7FFFFFFF  }
tec
execute0_lowered:
.L_overlay_start_1:
0x0: {  	(tag) =	ssettag $0x1  }
0x1: {  	s0 =	srdreg.scid  }
0x2: {  	s6 =	rddreg [dreg:$0x0];
	s7 =	simm.s32 $0x1;
	s1 =	sshll.u32 s0, $0x4  }
0x3: {  	s8 =	simm.s32 $0x2;
	s0 =	stileid.u32;
	s1 =	sand.u32 $0x10, s1  }
0x4: {  	s13 =	simm.s32 $0x0;
	s12 =	simm.s32 $0x0;
	s1 =	sor.u32 s0, s1  }
0x5: {  	s10 =	simm.s32 $0x0;
	s11 =	simm.s32 $0x0;
	s2 =	sshll.u32 s1, $0xB  }
0x6: {  	s3 =	sadd.s32 $0x2000, s6;
	s6 =	sadd.s32 $0x102000, s6;
	s5 =	ssub.s32 $0x100000, s2  }
.Ltmp0:
0x7: {  	s1 =	rddreg [dreg:$0x1];
	s4 =	sand.u32 $0xF800, s5;
	(pc) =	sbr.rel .LBB1_1-.Ltmp0, $4  }
0x8: {  	_ =	strace $0x80000047;
	s9 =	smov.u32 s2;
	p0 =	sne.s32 s4, $0x0  }
0x9: {  	s5 =	sshrl.u32 s5, $0x10;
	s4 =	simm.s32 $0x1;
	s7 =	simm.s32 @!p0 $0x0  }
0xa: {  	[sflag:s4] =	ssyncpa.u1 $0x0;
	p0 =	por $0x0, $0x0;
	s5 =	sadd.s32 s7, s5  }
0xb: {  	[sflag:s8] =	ssyncpa.u1 $0x0;
	s8 =	simm.s32 $0x80;
	s7 =	sadd.s32 $0x1, s5  }
.LBB1_7:
0xc: {  	s14 =	sadd.s32 $0x10000, s9  }
0xd: {  	s12 =	sadd.s32 $0x10, s10;
	s16 =	smov.u32 s10;
	p2 =	sgt.s32 s14, $0xFFFFF  }
0xe: {  	s16 =	smov.u32 @p2 s12  }
0xf: {  	s14 =	smov.u32 @p2 s2;
	p2 =	sgt.s32 s16, $0xF  }
0x10: {  	s16 =	simm.s32 @p2 $0x0;
	p2 =	sne.s32 s11, s7  }
.Ltmp1:
0x11: {  	p1 =	slt.u32 s11, $0x2;
	(pc) =	sbr.rel @!p2 .LBB1_8-.Ltmp1, $4  }
0x12: {  	s15 =	simm.s32 @!p1 $0x2  }
0x13: {  	s13 =	smov.u32 s9;
	p0 =	por !p0, !p0;
	_ =	swait.ge @!p1 [sflag:s15], $0x4000  }
0x14: {  	s12 =	smov.u32 s10;
	[sflag:s15] =	ssyncset.done @!p1 $0x0;
	s9 =	smov.u32 s14  }
0x15: {  	s11 =	sadd.s32 $0x1, s11;
	[sflag:s15] =	ssyncadd.s32 @!p1 $0xFFFFC000;
	s10 =	smov.u32 s16  }
.LBB1_1:
0x16: {  	p1 =	sge.u32 s11, s5  }
0x17: {  	s31 =	sadd.s32 $0xFFFFFFFF, s11;
	s14 =	sshll.u32 @!p1 s10, $0x14  }
0x18: {  	s15 =	sshll.u32 @!p1 s9, $0x3;
	s16 =	sshll.u32 @!p1 s10, $0x7;
	s17 =	sshll.u32 @!p1 s9, $0x1  }
0x19: {  	s14 =	sand.u32 @!p1 $0x800000, s14;
	s16 =	sand.u32 @!p1 $0x300, s16;
	s18 =	sand.u32 @!p1 $0xFFC00, s15  }
0x1a: {  	s14 =	sadd.s32 @!p1 s14, s15;
	s15 =	sand.u32 @!p1 $0xF0, s17;
	s16 =	sor.u32 @!p1 s16, s18  }
0x1b: {  	s17 =	simm.s32 @!p1 $0x400000;
	s14 =	sand.u32 @!p1 $0xF00000, s14;
	s15 =	sor.u32 @!p1 s15, s16  }
0x1c: {  	s16 =	sand.u32 @!p1 $0x7, s9;
	s14 =	sor.u32 @!p1 s14, s15;
	s15 =	sxor.u32 @!p1 $0xFFFFFFFF, s11  }
0x1d: {  	s16 =	sshll.u32 @!p1 s16, $0x12;
	s14 =	sshrl.u32 @!p1 s14, $0x4;
	s15 =	sshll.u32 @!p1 s15, $0xE  }
0x1e: {  	s16 =	sor.u32 @!p1 $0x2000, s16;
	s14 =	sadd.s32 @!p1 s3, s14;
	s15 =	sand.u32 @!p1 $0x4000, s15  }
0x1f: {  	[tilespmem:s15], [sflag:$0x1] =	stream.strided.gather @!p1 [hbm4b:s14+s16], $0x4000, s17, s16, $0x38;
	[tilespmem:$0x10800] =	vst v63  }
0x20: {  	p1 =	sge.u32 s31, s5  }
.Ltmp2:
0x21: {  	_ = 	snop;
	(pc) =	sbr.rel @p1 .LBB1_7-.Ltmp2, $1  }
0x22: {  	_ =	sdelay $0x3  }
0x23: {  	s14 =	simm.s32 $0x1  }
0x24: {  	s16 =	sand.u32 $0x1, s11;
	_ =	swait.ge [sflag:s4], $0x4000;
	s18 =	simm.s32 $0x0  }
0x25: {  	s19 =	simm.s32 $0x0;
	s14 =	simm.s32 @!p0 $0x0;
	s16 =	smul.u32 $0x11000, s16  }
0x26: {  	s20 =	simm.s32 $0x0;
	[sflag:s4] =	ssyncset.done $0x0;
	s15 =	smul.u32 $0x11000, s14  }
0x27: {  	s14 =	sshll.u32 s14, $0x10;
	[sflag:s4] =	ssyncadd.s32 $0xFFFFC000;
	s16 =	sshrl.u32 s16, $0x2  }
0x28: {  	s17 =	sshrl.u32 s14, $0x2;
	s15 =	sshrl.u32 s15, $0x2;
	s14 =	sor.u32 $0x8000, s16  }
0x29: {  	s16 =	sadd.s32 $0x200, s17;
	s17 =	simm.s32 $0x0;
	s15 =	sor.u32 $0x8000, s15  }
.LBB1_3:
0x2a: {  	s21 =	sshll.u32 s19, $0x1;
	s22 =	sand.u32 $0x3, s18  }
0x2b: {  	s21 =	sand.u32 $0xFFFF8000, s21;
	s22 =	sshll.u32 s22, $0x9  }
0x2c: {  	s21 =	sor.u32 s22, s21  }
0x2d: {  	s21 =	sshrl.u32 s21, $0x2  }
0x2e: {  	s31 =	sadd.s32 s21, s16  }
0x2f: {  	v0 =	vld [tilespmem:s31+$0xFFFFFE70]  }
0x30: {  	v1 =	vld [tilespmem:s31+$0xFFFFFE00]  }
0x31: {  	v2 =	vld [tilespmem:s31+$0x70]  }
0x32: {  	v3 =	vld [tilespmem:s31+$0xFFFFFE60]  }
0x33: {  	v4 =	vld [tilespmem:s31+$0x60]  }
0x34: {  	v5 =	vld [tilespmem:s31+$0xFFFFFE40]  }
0x35: {  	v6 =	vld [tilespmem:s31+$0x50]  }
0x36: {  	v7 =	vld [tilespmem:s31+$0xFFFFFE50]  }
0x37: {  	v8 =	vld [tilespmem:s31+$0x40]  }
0x38: {  	v9 =	vld [tilespmem:s31+$0xFFFFFE10]  }
0x39: {  	v10 =	vld [tilespmem:s31+$0x0]  }
0x3a: {  	v13 =	vld [tilespmem:s31+$0xFFFFFE30];
	v0 =	vperm.xlane.i2c.b16 v0  }
0x3b: {  	v15 =	vld [tilespmem:s31+$0x30];
	v3 =	vperm.xlane.i2c.b16 v3;
	v2 =	vperm.xlane.i2c.b16 v2  }
0x3c: {  	s29 =	sshrl.u32 s20, $0x3;
	v14 =	vld [tilespmem:s31+$0x20];
	v11 =	vperm.xlane.i2c.b16 v1;
	v6 =	vperm.xlane.i2c.b16 v6  }
0x3d: {  	s21 =	sxor.u32 $0xFFFFFFFF, s29;
	v8 =	vperm.xlane.i2c.b16 v8;
	v4 =	vperm.xlane.i2c.b16 v4  }
0x3e: {  	s23 =	sand.u32 s21, s17;
	v9 =	vperm.xlane.i2c.b16 v9;
	v7 =	vperm.xlane.i2c.b16 v7  }
0x3f: {  	s24 =	sand.u32 $0x6, s20;
	v12 =	vld [tilespmem:s31+$0x10];
	s30 =	sadd.s32 $0x400, s31;
	s23 =	smul.u32 $0x22, s23;
	v10 =	vperm.xlane.i2c.b16 v10;
	v5 =	vperm.xlane.i2c.b16 v5  }
0x40: {  	s26 =	sand.u32 $0x3FFFFFF8, s20;
	s25 =	sadd.s32 s24, s14;
	v19 =	vld [tilespmem:s30+$0xFFFFFE60];
	v13 =	vperm.xlane.i2c.b16 v13;
	v15 =	vperm.xlane.i2c.b16 v15  }
0x41: {  	s22 =	sadd.s32 s26, s25;
	v18 =	vld [tilespmem:s30+$0x70];
	s23 =	sshra.s32 s23, $0x2;
	v23 =	vperm.xlane.i2c.b16 v14;
	v1 =	vcombine.low v3, v0  }
0x42: {  	s27 =	sadd.s32 s23, s22;
	v0 =	vcombine.high v3, v0;
	v3 =	vld [tilespmem:s31+$0xFFFFFE20];
	v16 =	vcombine.low v8, v6  }
0x43: {  	v14 =	vld [tilespmem:s30+$0x50];
	v6 =	vcombine.high v8, v6;
	v20 =	vcombine.low v5, v7;
	[tilespmem:s27+$0x330 ss:$0x11] =	vst.msk $0xffff, v1  }
0x44: {  	v8 =	vld [tilespmem:s30+$0xFFFFFE70];
	v21 =	vcombine.high v5, v7;
	v1 =	vcombine.low v4, v2;
	[tilespmem:s15+$0x660 ss:$0x11] =	vst.msk $0xffff, v16  }
0x45: {  	v17 =	vld [tilespmem:s30+$0xFFFFFE00];
	v16 =	vperm.xlane.i2c.b16 v19;
	[tilespmem:s27+$0x331 ss:$0x11] =	vst.msk $0xffff, v0;
	v0 =	vcombine.high v4, v2  }
0x46: {  	v22 =	vld [tilespmem:s30+$0x60];
	[tilespmem:s15+$0x661 ss:$0x11] =	vst.msk $0xffff, v6;
	v2 =	vperm.xlane.i2c.b16 v18;
	v6 =	vcombine.high v11, v9  }
0x47: {  	v5 =	vld [tilespmem:s30+$0xFFFFFE50];
	s31 =	simm.s32 $0x100;
	[tilespmem:s27+$0x220 ss:$0x11] =	vst.msk $0xffff, v20;
	v9 =	vcombine.low v11, v9;
	v3 =	vperm.xlane.i2c.b16 v3  }
0x48: {  	s23 =	sand.u32 s21, s31;
	v19 =	vld [tilespmem:s30+$0xFFFFFE10];
	v11 =	vperm.xlane.i2c.b16 v12;
	v63 =	vperm.xlane.i2c.b16 v14;
	[tilespmem:s15+$0x770 ss:$0x11] =	vst.msk $0xffff, v1  }
0x49: {  	s23 =	smul.u32 $0x22, s23;
	v18 =	vld [tilespmem:s30+$0x40];
	v4 =	vperm.xlane.i2c.b16 v8;
	[tilespmem:s15+$0x771 ss:$0x11] =	vst.msk $0xffff, v0;
	v7 =	vcombine.low v3, v13  }
0x4a: {  	v12 =	vld [tilespmem:s30+$0xFFFFFE20];
	[tilespmem:s15+$0x0 ss:$0x11] =	vst.msk $0xffff, v9;
	v13 =	vcombine.high v3, v13;
	v3 =	vcombine.low v23, v15  }
0x4b: {  	v14 =	vld [tilespmem:s30+$0xFFFFFE30];
	s23 =	sshra.s32 s23, $0x2;
	v0 =	vperm.xlane.i2c.b16 v17;
	v17 =	vcombine.low v16, v4;
	[tilespmem:s27+$0x110 ss:$0x11] =	vst.msk $0xffff, v7  }
0x4c: {  	v1 =	vld [tilespmem:s30+$0xFFFFFE40];
	s23 =	sadd.s32 s23, s22;
	v9 =	vperm.xlane.i2c.b16 v22;
	[tilespmem:s15+$0x550 ss:$0x11] =	vst.msk $0xffff, v3  }
0x4d: {  	v8 =	vld [tilespmem:s30+$0x0];
	v7 =	vcombine.high v16, v4;
	v4 =	vcombine.low v10, v11;
	[tilespmem:s23+$0x330 ss:$0x11] =	vst.msk $0xffff, v17  }
0x4e: {  	v3 =	vld [tilespmem:s30+$0x10];
	[tilespmem:s27+$0x111 ss:$0x11] =	vst.msk $0xffff, v13;
	v13 =	vcombine.high v10, v11;
	v11 =	vperm.xlane.i2c.b16 v18  }
0x4f: {  	s25 =	sadd.s32 $0x880, s15;
	s26 =	simm.s32 $0x200;
	v17 =	vcombine.high v23, v15;
	v16 =	vld [tilespmem:s30+$0x30];
	[tilespmem:s15+$0x440 ss:$0x11] =	vst.msk $0xffff, v4;
	v4 =	vperm.xlane.i2c.b16 v19  }
0x50: {  	s24 =	smov.u32 s25;
	s28 =	sadd.s32 $0x400, s30;
	[tilespmem:s27+$0x221 ss:$0x11] =	vst.msk $0xffff, v21;
	v10 =	vld [tilespmem:s30+$0x20];
	s27 =	smov.u32 s15;
	v15 =	vcombine.low v11, v63;
	v11 =	vcombine.high v11, v63  }
.LBB1_4:
0x51: {  	p1 =	slt.u32 s26, $0x700  }
0x52: {  	v18 =	vld [tilespmem:s28+$0xFFFFFE70];
	v5 =	vperm.xlane.i2c.b16 v5;
	v19 =	vperm.xlane.i2c.b16 v8;
	s25 =	sadd.s32 $0x880, s25;
	[tilespmem:s27+$0x1 ss:$0x11] =	vst.msk $0xffff, v6;
	s29 =	smov.u32 s26;
	s26 =	sadd.s32 $0x100, s26  }
0x53: {  	v1 =	vperm.xlane.i2c.b16 v1;
	v8 =	vld [tilespmem:s28+$0xFFFFFE00];
	v6 =	vperm.xlane.i2c.b16 v12;
	[tilespmem:s27+$0x551 ss:$0x11] =	vst.msk $0xffff, v17  }
0x54: {  	v17 =	vcombine.low v9, v2;
	v12 =	vld [tilespmem:s28+$0x70];
	v14 =	vperm.xlane.i2c.b16 v14;
	[tilespmem:s27+$0x441 ss:$0x11] =	vst.msk $0xffff, v13;
	s27 =	smov.u32 s24;
	s24 =	smov.u32 s25  }
0x55: {  	v20 =	vcombine.low v1, v5;
	v21 =	vcombine.high v1, v5;
	v13 =	vld [tilespmem:s28+$0xFFFFFE60];
	[tilespmem:s23+$0x331 ss:$0x11] =	vst.msk $0xffff, v7  }
0x56: {  	v7 =	vcombine.high v9, v2;
	v22 =	vld [tilespmem:s28+$0x60];
	v16 =	vperm.xlane.i2c.b16 v16;
	[tilespmem:s27+$0x770 ss:$0x11] =	vst.msk $0xffff, v17  }
0x57: {  	v17 =	vperm.xlane.i2c.b16 v10;
	v1 =	vld [tilespmem:s28+$0xFFFFFE40];
	v9 =	vperm.xlane.i2c.b16 v18;
	[tilespmem:s27+$0x660 ss:$0x11] =	vst.msk $0xffff, v15  }
0x58: {  	v15 =	vcombine.low v6, v14;
	v14 =	vcombine.high v6, v14;
	v10 =	vld [tilespmem:s28+$0x50];
	[tilespmem:s27+$0x661 ss:$0x11] =	vst.msk $0xffff, v11  }
0x59: {  	v11 =	vcombine.low v17, v16;
	v5 =	vld [tilespmem:s28+$0xFFFFFE50];
	v2 =	vperm.xlane.i2c.b16 v12;
	[tilespmem:s27+$0x771 ss:$0x11] =	vst.msk $0xffff, v7  }
0x5a: {  	v6 =	vcombine.high v0, v4;
	v7 =	vperm.xlane.i2c.b16 v13;
	v18 =	vld [tilespmem:s28+$0x40];
	[tilespmem:s23+$0x110 ss:$0x11] =	vst.msk $0xffff, v15  }
0x5b: {  	s29 =	sand.u32 s21, s29;
	v4 =	vcombine.low v0, v4;
	v13 =	vperm.xlane.i2c.b16 v3;
	v15 =	vld [tilespmem:s28+$0xFFFFFE10];
	[tilespmem:s27+$0x550 ss:$0x11] =	vst.msk $0xffff, v11  }
0x5c: {  	s29 =	smul.u32 $0x22, s29;
	v0 =	vperm.xlane.i2c.b16 v8;
	v11 =	vcombine.low v7, v9;
	v8 =	vld [tilespmem:s28+$0x0];
	[tilespmem:s23+$0x220 ss:$0x11] =	vst.msk $0xffff, v20  }
.Ltmp3:
0x5d: {  	v7 =	vcombine.high v7, v9;
	v3 =	vld [tilespmem:s28+$0x10];
	[tilespmem:s27+$0x0 ss:$0x11] =	vst.msk $0xffff, v4;
	v4 =	vcombine.low v19, v13;
	(pc) =	sbr.rel @p1 .LBB1_4-.Ltmp3, $4  }
0x5e: {  	s29 =	sshra.s32 s29, $0x2;
	v20 =	vperm.xlane.i2c.b16 v10;
	v13 =	vcombine.high v19, v13;
	v12 =	vld [tilespmem:s28+$0xFFFFFE20];
	[tilespmem:s23+$0x111 ss:$0x11] =	vst.msk $0xffff, v14  }
0x5f: {  	s29 =	sadd.s32 s29, s22;
	v9 =	vperm.xlane.i2c.b16 v22;
	v14 =	vld [tilespmem:s28+$0xFFFFFE30];
	v18 =	vperm.xlane.i2c.b16 v18;
	[tilespmem:s27+$0x440 ss:$0x11] =	vst.msk $0xffff, v4  }
0x60: {  	v17 =	vcombine.high v17, v16;
	v4 =	vperm.xlane.i2c.b16 v15;
	[tilespmem:s29+$0x330 ss:$0x11] =	vst.msk $0xffff, v11;
	v10 =	vld [tilespmem:s28+$0x20]  }
0x61: {  	v16 =	vld [tilespmem:s28+$0x30];
	v15 =	vcombine.low v18, v20;
	v11 =	vcombine.high v18, v20;
	s28 =	sadd.s32 $0x400, s28;
	[tilespmem:s23+$0x221 ss:$0x11] =	vst.msk $0xffff, v21;
	s23 =	smov.u32 s29  }
0x62: {  	[tilespmem:s27+$0x1 ss:$0x11] =	vst.msk $0xffff, v6  }
0x63: {  	[tilespmem:s27+$0x551 ss:$0x11] =	vst.msk $0xffff, v17  }
0x64: {  	[tilespmem:s27+$0x441 ss:$0x11] =	vst.msk $0xffff, v13  }
0x65: {  	v51 =	vcombine.low v9, v2;
	[tilespmem:s23+$0x331 ss:$0x11] =	vst.msk $0xffff, v7  }
0x66: {  	v5 =	vperm.xlane.i2c.b16 v5;
	[tilespmem:s24+$0x660 ss:$0x11] =	vst.msk $0xffff, v15  }
0x67: {  	v54 =	vcombine.high v9, v2;
	v59 =	vcombine.low v0, v4;
	[tilespmem:s24+$0x770 ss:$0x11] =	vst.msk $0xffff, v51  }
0x68: {  	v1 =	vperm.xlane.i2c.b16 v1;
	v57 =	vperm.xlane.i2c.b16 v8;
	[tilespmem:s24+$0x661 ss:$0x11] =	vst.msk $0xffff, v11  }
0x69: {  	v3 =	vperm.xlane.i2c.b16 v3;
	v61 =	vcombine.high v0, v4;
	[tilespmem:s24+$0x0 ss:$0x11] =	vst.msk $0xffff, v59  }
0x6a: {  	v58 =	vcombine.low v1, v5;
	[tilespmem:s24+$0x771 ss:$0x11] =	vst.msk $0xffff, v54  }
0x6b: {  	v12 =	vperm.xlane.i2c.b16 v12;
	v60 =	vcombine.low v57, v3;
	[tilespmem:s24+$0x1 ss:$0x11] =	vst.msk $0xffff, v61  }
0x6c: {  	v52 =	vperm.xlane.i2c.b16 v14;
	v1 =	vcombine.high v1, v5;
	[tilespmem:s23+$0x220 ss:$0x11] =	vst.msk $0xffff, v58  }
0x6d: {  	v63 =	vcombine.high v57, v3;
	v55 =	vperm.xlane.i2c.b16 v10;
	[tilespmem:s24+$0x440 ss:$0x11] =	vst.msk $0xffff, v60  }
0x6e: {  	p1 =	slt.u32 s20, $0xE;
	v53 =	vperm.xlane.i2c.b16 v16;
	v56 =	vcombine.low v12, v52;
	[tilespmem:s23+$0x221 ss:$0x11] =	vst.msk $0xffff, v1  }
.Ltmp4:
0x6f: {  	v7 =	vcombine.high v12, v52;
	[tilespmem:s24+$0x441 ss:$0x11] =	vst.msk $0xffff, v63;
	(pc) =	sbr.rel @p1 .LBB1_3-.Ltmp4, $4  }
0x70: {  	v10 =	vcombine.low v55, v53;
	[tilespmem:s23+$0x110 ss:$0x11] =	vst.msk $0xffff, v56  }
0x71: {  	v62 =	vcombine.high v55, v53;
	[tilespmem:s23+$0x111 ss:$0x11] =	vst.msk $0xffff, v7  }
0x72: {  	s21 =	sadd.s32 $0x2, s20;
	s15 =	sadd.s32 $0x2, s15;
	[tilespmem:s24+$0x550 ss:$0x11] =	vst.msk $0xffff, v10  }
0x73: {  	s19 =	sadd.s32 $0x1000, s19;
	s18 =	sadd.s32 $0x1, s18;
	s20 =	smov.u32 s21;
	[tilespmem:s24+$0x551 ss:$0x11] =	vst.msk $0xffff, v62  }
0x74: {  	s13 =	sshll.u32 s13, $0x7;
	s15 =	sshll.u32 s12, $0x3  }
0x75: {  	s16 =	sand.u32 $0x7FFFC00, s13;
	s15 =	sand.u32 $0x7FFFC00, s15  }
0x76: {  	s28 =	sshll.u32 s12, $0x1;
	s13 =	sand.u32 $0x300, s13;
	s15 =	sadd.s32 s15, s16  }
0x77: {  	s29 =	sand.u32 $0x80, s28;
	s13 =	sor.u32 s13, s15  }
.Ltmp5:
0x78: {  	s30 =	sshrl.u32 s12, $0x3;
	s13 =	sor.u32 s29, s13;
	(pc) =	sbr.rel .LBB1_7-.Ltmp5, $4  }
0x79: {  	s31 =	sand.u32 $0x7, s12;
	s15 =	sand.u32 $0x7, s30;
	s13 =	sshrl.u32 s13, $0x4  }
0x7a: {  	s12 =	sshll.u32 s31, $0x12;
	s15 =	sadd.s32 s6, s15;
	s13 =	sand.u32 $0x7FFFF8, s13  }
0x7b: {  	s12 =	sor.u32 $0x10, s12;
	s13 =	sadd.s32 s13, s15  }
0x7c: {  	[hbm4b:s13+s12] =	stream.strided.scatter [tilespmem:s14], [sflag:$0x2], $0x4000, s8, s12, $0x8;
	[tilespmem:$0x10800] =	vst v63  }
.LBB1_8:
0x7d: {  	_ =	sfence.sel $0x180000  }
0x7e: {  	s2 =	simm.s32 $0x1;
	[bflag:$0x0] =	sbarrier.arrive $0xFFFF  }
0x7f: {  	s31 =	simm.s32 $0x2;
	[sflag:s2] =	ssyncpa.u1 $0x1  }
0x80: {  	[sflag:s31] =	ssyncpa.u1 $0x1  }
0x81: {  	p0 =	sne.s32 s0, $0x0;
	_ =	strace $0x90000047  }
0x82: {  	s0 =	sadd.s32 @!p0 $0x100000, s1;
	[bflag:$0x2] =	sbarrier.arrive $0xFFFF  }
0x83: {  	[sflag:s0] =	ssyncadd.tile.s32 @!p0 $0x1;
	_ =	shalt  }
.Lfunc_end1:
_tile_overlayer_lowered:
.L_overlay_start_2:
0x84: {  	(tag) =	ssettag $0x2  }
0x85: {  	s0 =	rddreg [dreg:$0x0];
	s2 =	stileid.u32  }
0x86: {  	s1 =	rddreg [dreg:$0x1];
	p0 =	sne.s32 s2, $0x0  }
0x87: {  	s3 =	rddreg [dreg:$0x2];
	[bflag:$0x3] =	sbarrier.arrive $0xFFFF;
	s2 =	simm.s32 @!p0 $0x1C01  }
0x88: {  	[timem:s3], [sflag:s2] =	dma.local @!p0 [hbm:s0], s1  }
0x89: {  	s0 =	simm.s32 @!p0 $0x1  }
0x8a: {  	_ =	swait.ge @!p0 [sflag:s0], s1  }
0x8b: {  	s1 =	ssub.s32 @!p0 $0x0, s1;
	[sflag:s0] =	ssyncset.done @!p0 $0x0  }
0x8c: {  	[sflag:s0] =	ssyncadd.s32 @!p0 s1  }
0x8d: {  	[bflag:$0x3] =	sbarrier.arrive $0xFFFF  }
0x8e: {  	_ =	shalt  }

</sc_bundles>
